<compile_context>
chip_gen: v7x
topology: tpu7x:2x2x1
jax: 0.10.2.dev20260603
libtpu: 0.0.44.dev20260713+nightly
codegen_flags: <defaults>
</compile_context>

<pallas_src>
import dataclasses

import jax
import jax.numpy as jnp
from jax import lax
from jax.experimental import pallas as pl
from jax.experimental.pallas import tpu as pltpu
from jax.experimental.pallas import tpu_sc as plsc

N = 10000
E = 160000
D = 256
HALF = 128

NC = 2
NS = 16
LANES = 16

EP = 163840
EROWS = EP // 128
DEG_ROWS = EROWS // (NC * NS)
AGG_ROWS = EROWS // NS
NA = 10240
NPT = NA // NS
RB = 16
MB = AGG_ROWS // RB

_mesh = plsc.VectorSubcoreMesh(core_axis_name="c", subcore_axis_name="s")

_sc_params = pltpu.CompilerParams()
if "needs_layout_passes" in pltpu.CompilerParams.__dataclass_fields__:
    _sc_params = dataclasses.replace(_sc_params, needs_layout_passes=False)


def _deg_body(dst_hbm, ew_hbm, d0_hbm, d1_hbm,
              dstbuf, ewbuf, degloc, redbuf, outbuf, staging):
    c = lax.axis_index("c")
    s = lax.axis_index("s")
    wid = c * NS + s

    @pl.loop(0, NA, step=LANES)
    def _(i):
        degloc[pl.ds(i, LANES)] = jnp.zeros((LANES,), jnp.float32)

    pltpu.sync_copy(dst_hbm.at[pl.ds(wid * DEG_ROWS, DEG_ROWS)], dstbuf)
    pltpu.sync_copy(ew_hbm.at[pl.ds(wid * DEG_ROWS, DEG_ROWS)], ewbuf)

    @pl.loop(0, DEG_ROWS)
    def _(j):
        for k in range(128 // LANES):
            sl = pl.ds(k * LANES, LANES)
            plsc.addupdate_scatter(degloc, [dstbuf[j, sl]], ewbuf[j, sl])

    pltpu.sync_copy(degloc, staging.at[s])
    plsc.subcore_barrier()

    pltpu.sync_copy(staging.at[pl.ds(0, NS), pl.ds(s * NPT, NPT)], redbuf)

    @pl.loop(0, NPT, step=LANES)
    def _(v):
        sl = pl.ds(v, LANES)
        acc = redbuf[0, sl]
        for r in range(1, NS):
            acc = acc + redbuf[r, sl]
        outbuf[sl] = acc

    @pl.when(c == 0)
    def _():
        pltpu.sync_copy(outbuf, d0_hbm.at[pl.ds(s * NPT, NPT)])

    @pl.when(c == 1)
    def _():
        pltpu.sync_copy(outbuf, d1_hbm.at[pl.ds(s * NPT, NPT)])


_deg_kernel = pl.kernel(
    _deg_body,
    out_type=(
        jax.ShapeDtypeStruct((NA,), jnp.float32),
        jax.ShapeDtypeStruct((NA,), jnp.float32),
    ),
    mesh=_mesh,
    scratch_types=[
        pltpu.VMEM((DEG_ROWS, 128), jnp.int32),
        pltpu.VMEM((DEG_ROWS, 128), jnp.float32),
        pltpu.VMEM((NA,), jnp.float32),
        pltpu.VMEM((NS, NPT), jnp.float32),
        pltpu.VMEM((NPT,), jnp.float32),
        pltpu.VMEM_SHARED((NS, NA), jnp.float32),
    ],
    compiler_params=_sc_params,
)


def _agg_body(h_hbm, src1d_hbm, dst_hbm, ew_hbm, z128_hbm,
              s0_hbm, s1_hbm,
              srcbuf, dstbuf, ewbuf, rows0, rows1, sacc, gsem0, gsem1):
    c = lax.axis_index("c")
    s = lax.axis_index("s")

    pltpu.sync_copy(z128_hbm.at[pl.ds(s * NPT, NPT)], sacc.at[pl.ds(s * NPT, NPT)])
    plsc.subcore_barrier()

    pltpu.sync_copy(src1d_hbm.at[pl.ds(s * AGG_ROWS * 128, AGG_ROWS * 128)],
                    srcbuf)

    coff = c * NA

    @plsc.parallel_loop(0, AGG_ROWS * 128, step=LANES, unroll=4)
    def _(r):
        sl = pl.ds(r, LANES)
        srcbuf[sl] = srcbuf[sl] + coff

    def gstart(q, buf, sem):
        pltpu.async_copy(h_hbm.at[srcbuf.at[pl.ds(q * 128, 128)]], buf, sem)

    def gwait(q, buf, sem):
        pltpu.make_async_copy(h_hbm.at[srcbuf.at[pl.ds(q * 128, 128)]],
                              buf, sem).wait()

    def scale(lr, buf):
        jf = jnp.full((LANES,), lr, dtype=jnp.int32)

        @plsc.parallel_loop(0, 128, unroll=8)
        def _(i):
            i_f = jnp.full((LANES,), i, dtype=jnp.int32)
            sc = plsc.load_gather(ewbuf, [jf, i_f])
            for k in range(HALF // LANES):
                sl = pl.ds(k * LANES, LANES)
                buf[i, sl] = buf[i, sl] * sc

    gstart(0, rows0, gsem0)
    gstart(1, rows1, gsem1)

    @pl.loop(0, MB)
    def _(m):
        pltpu.sync_copy(dst_hbm.at[pl.ds(s * AGG_ROWS + m * RB, RB)], dstbuf)
        pltpu.sync_copy(ew_hbm.at[pl.ds(s * AGG_ROWS + m * RB, RB)], ewbuf)

        @pl.loop(0, RB, step=2)
        def _(t):
            q0 = m * RB + t

            gwait(q0, rows0, gsem0)
            scale(t, rows0)
            pltpu.sync_copy(rows0, sacc.at[dstbuf.at[t]], add=True)

            @pl.when(q0 + 2 < AGG_ROWS)
            def _():
                gstart(q0 + 2, rows0, gsem0)

            gwait(q0 + 1, rows1, gsem1)
            scale(t + 1, rows1)
            pltpu.sync_copy(rows1, sacc.at[dstbuf.at[t + 1]], add=True)

            @pl.when(q0 + 3 < AGG_ROWS)
            def _():
                gstart(q0 + 3, rows1, gsem1)

    plsc.subcore_barrier()

    @pl.when(c == 0)
    def _():
        pltpu.sync_copy(sacc.at[pl.ds(s * NPT, NPT)], s0_hbm.at[pl.ds(s * NPT, NPT)])

    @pl.when(c == 1)
    def _():
        pltpu.sync_copy(sacc.at[pl.ds(s * NPT, NPT)], s1_hbm.at[pl.ds(s * NPT, NPT)])


_agg_kernel = pl.kernel(
    _agg_body,
    out_type=(
        jax.ShapeDtypeStruct((NA, HALF), jnp.float32),
        jax.ShapeDtypeStruct((NA, HALF), jnp.float32),
    ),
    mesh=_mesh,
    scratch_types=[
        pltpu.VMEM((AGG_ROWS * 128,), jnp.int32),
        pltpu.VMEM((RB, 128), jnp.int32),
        pltpu.VMEM((RB, 128), jnp.float32),
        pltpu.VMEM((128, HALF), jnp.float32),
        pltpu.VMEM((128, HALF), jnp.float32),
        pltpu.VMEM_SHARED((NA, HALF), jnp.float32),
        pltpu.SemaphoreType.DMA,
        pltpu.SemaphoreType.DMA,
    ],
    compiler_params=_sc_params,
)


def _mm1_body(x_ref, w1_ref, d0_ref, d1_ref, h_ref):
    h = jnp.dot(x_ref[...], w1_ref[...], preferred_element_type=jnp.float32)
    dis = lax.rsqrt(d0_ref[...] + d1_ref[...] + 1.0)
    h_ref[0, :, :] = h * dis


def _mm1(x, W1, d0, d1):
    blk = 1000
    return pl.pallas_call(
        _mm1_body,
        grid=(N // blk, 2),
        in_specs=[
            pl.BlockSpec((blk, D), lambda i, half: (i, 0)),
            pl.BlockSpec((D, HALF), lambda i, half: (0, half)),
            pl.BlockSpec((blk, 1), lambda i, half: (i, 0)),
            pl.BlockSpec((blk, 1), lambda i, half: (i, 0)),
        ],
        out_specs=pl.BlockSpec((1, blk, HALF), lambda i, half: (half, i, 0)),
        out_shape=jax.ShapeDtypeStruct((2, NA, HALF), jnp.float32),
    )(x, W1, d0, d1)


def _mm2_body(s0_ref, s1_ref, h0_ref, h1_ref, d0_ref, d1_ref, b1_ref, w2_ref,
              b2_ref, out_ref):
    dis = lax.rsqrt(d0_ref[...] + d1_ref[...] + 1.0)
    z0 = (s0_ref[...] + h0_ref[...]) * dis
    z1 = (s1_ref[...] + h1_ref[...]) * dis
    z = jnp.concatenate([z0, z1], axis=1) + b1_ref[...]
    z = jnp.maximum(z, 0.0)
    out_ref[...] = (
        jnp.dot(z, w2_ref[...], preferred_element_type=jnp.float32) + b2_ref[...]
    )


def _mm2(S0, S1, h0, h1, d0, d1, b1, W2, b2):
    blk = 1000
    return pl.pallas_call(
        _mm2_body,
        grid=(N // blk,),
        in_specs=[
            pl.BlockSpec((blk, HALF), lambda i: (i, 0)),
            pl.BlockSpec((blk, HALF), lambda i: (i, 0)),
            pl.BlockSpec((blk, HALF), lambda i: (i, 0)),
            pl.BlockSpec((blk, HALF), lambda i: (i, 0)),
            pl.BlockSpec((blk, 1), lambda i: (i, 0)),
            pl.BlockSpec((blk, 1), lambda i: (i, 0)),
            pl.BlockSpec((1, D), lambda i: (0, 0)),
            pl.BlockSpec((D, D), lambda i: (0, 0)),
            pl.BlockSpec((1, D), lambda i: (0, 0)),
        ],
        out_specs=pl.BlockSpec((blk, D), lambda i: (i, 0)),
        out_shape=jax.ShapeDtypeStruct((N, D), jnp.float32),
    )(S0, S1, h0, h1, d0, d1, b1, W2, b2)


def kernel(x, edge_index, edge_weight, W1, b1, W2, b2):
    pad = EP - E
    src = jnp.concatenate([edge_index[0], jnp.zeros((pad,), jnp.int32)])
    dst = jnp.concatenate([edge_index[1], jnp.zeros((pad,), jnp.int32)])
    ew = jnp.concatenate([edge_weight, jnp.zeros((pad,), jnp.float32)])
    src2d = src.reshape(EROWS, 128)
    dst2d = dst.reshape(EROWS, 128)
    ew2d = ew.reshape(EROWS, 128)

    z128 = jnp.zeros((NA, HALF), jnp.float32)

    d0, d1 = _deg_kernel(dst2d, ew2d)
    d0c = d0.reshape(NA, 1)
    d1c = d1.reshape(NA, 1)
    h = _mm1(x, W1, d0c, d1c)
    hflat = h.reshape(2 * NA, HALF)
    S0, S1 = _agg_kernel(hflat, src, dst2d, ew2d, z128)
    return _mm2(S0[:N], S1[:N], h[0, :N], h[1, :N], d0c[:N], d1c[:N],
                b1.reshape(1, D), W2, b2.reshape(1, D))

# --- scband reference (transcript-rebuilt; emitter-appended) ---
"""Pipeline reference for scband-gcn-64441689309931 (READ-ONLY COPY).

The authoritative reference and input builder live on the scoring server;
editing this copy changes nothing except your own understanding.
"""

import jax, jax.numpy as jnp
import numpy as np

N = 10000
E = 160000
D_IN = 256
HID = 256
OUT = 256


def setup_inputs(seed: int = 0) -> dict:
    key = jax.random.key(seed)
    ks = jax.random.split(key, 8)
    x = jax.random.normal(ks[0], (N, D_IN), dtype=jnp.float32)
    edge_index = jax.random.randint(ks[1], (2, E), 0, N, dtype=jnp.int32)
    edge_weight = jax.random.uniform(ks[2], (E,), dtype=jnp.float32)
    # GCNConv params (glorot-ish init)
    W1 = jax.random.normal(ks[3], (D_IN, HID), dtype=jnp.float32) * (1.0 / np.sqrt(D_IN))
    b1 = jnp.zeros((HID,), dtype=jnp.float32)
    # Linear params
    W2 = jax.random.normal(ks[4], (HID, OUT), dtype=jnp.float32) * (1.0 / np.sqrt(HID))
    b2 = jnp.zeros((OUT,), dtype=jnp.float32)
    return {"x": x, "edge_index": edge_index, "edge_weight": edge_weight,
            "W1": W1, "b1": b1, "W2": W2, "b2": b2}


def _gcn_conv(x, W, b, edge_index, edge_weight, num_nodes):
    # Faithful PyG-style GCNConv: add self-loops, symmetric deg^-1/2 normalization,
    # linear transform, scatter-add aggregation, bias.
    src = edge_index[0]
    dst = edge_index[1]
    loop = jnp.arange(num_nodes, dtype=src.dtype)
    src = jnp.concatenate([src, loop])
    dst = jnp.concatenate([dst, loop])
    ew = jnp.concatenate([edge_weight, jnp.ones((num_nodes,), dtype=edge_weight.dtype)])
    deg = jnp.zeros((num_nodes,), dtype=ew.dtype).at[dst].add(ew)
    deg_inv_sqrt = jnp.where(deg > 0, deg ** -0.5, 0.0)
    norm = deg_inv_sqrt[src] * ew * deg_inv_sqrt[dst]
    h = x @ W
    msgs = h[src] * norm[:, None]
    out = jnp.zeros((num_nodes, W.shape[1]), dtype=h.dtype).at[dst].add(msgs)
    return out + b


def reference(x, edge_index, edge_weight, W1, b1, W2, b2):
    h = _gcn_conv(x, W1, b1, edge_index, edge_weight, N)
    h = jax.nn.relu(h)
    # dropout is identity in eval mode
    out = h @ W2 + b2
    return out

if __name__ == "__main__":
    import jax
    _d = setup_inputs()
    print(jax.jit(kernel)(*tuple(_d.values())))

</pallas_src>

<mosaic_0001>
#map = affine_map<(d0, d1) -> (0, 0)>
#map1 = affine_map<(d0, d1) -> (0)>
module attributes {stable_mosaic.version = 14 : i64} {
  func.func @_agg_body(%arg0: i32, %arg1: i32, %arg2: memref<20480x128xf32, #tpu.memory_space<hbm>>, %arg3: memref<163840xi32, #tpu.memory_space<hbm>>, %arg4: memref<1280x128xi32, #tpu.memory_space<hbm>>, %arg5: memref<1280x128xf32, #tpu.memory_space<hbm>>, %arg6: memref<10240x128xf32, #tpu.memory_space<hbm>>, %arg7: memref<10240x128xf32, #tpu.memory_space<hbm>>, %arg8: memref<10240x128xf32, #tpu.memory_space<hbm>>, %arg9: memref<10240xi32, #tpu.memory_space<vmem>>, %arg10: memref<16x128xi32, #tpu.memory_space<vmem>>, %arg11: memref<16x128xf32, #tpu.memory_space<vmem>>, %arg12: memref<128x128xf32, #tpu.memory_space<vmem>>, %arg13: memref<128x128xf32, #tpu.memory_space<vmem>>, %arg14: memref<10240x128xf32, #tpu.memory_space<vmem_shared>>, %arg15: memref<!tpu.dma_semaphore, #tpu.memory_space<semaphore_mem>>, %arg16: memref<!tpu.dma_semaphore, #tpu.memory_space<semaphore_mem>>) attributes {dimension_semantics = [#tpu.dimension_semantics<core_parallel>, #tpu.dimension_semantics<subcore_parallel>], iteration_bounds = array<i64: 2, 16>, scalar_prefetch = 0 : i64, scratch_operands = 8 : i64, tpu.core_type = #tpu.core_type<sc_vector_subcore>, window_params = [{transform_indices = #map}, {transform_indices = #map1}, {transform_indices = #map}, {transform_indices = #map}, {transform_indices = #map}, {transform_indices = #map}, {transform_indices = #map}]} {
    %mul3A = arith.constant 640 : i32
    %mul3A_0 = arith.muli %arg1, %mul3A : i32
    %mul3A_1 = arith.constant 640 : i32
    %mul3A_2 = arith.muli %arg1, %mul3A_1 : i32
    "tpu.region"() ({
      %run_scoped3A = tpu.sem_alloc : memref<!tpu.dma_semaphore, #tpu.memory_space<semaphore_mem>>
      %dma_start3A_32 = arith.constant 0 : i32
      %dma_start3A_33 = tpu.memref_slice %arg14[%mul3A_2, %dma_start3A_32] : memref<10240x128xf32, #tpu.memory_space<vmem_shared>> -> memref<640x128xf32, #tpu.memory_space<vmem_shared>>
      %dma_start3A_34 = arith.constant 0 : i32
      %dma_start3A_35 = tpu.memref_slice %arg6[%mul3A_0, %dma_start3A_34] : memref<10240x128xf32, #tpu.memory_space<hbm>> -> memref<640x128xf32, #tpu.memory_space<hbm>>
      tpu.enqueue_dma source(%dma_start3A_35 : memref<640x128xf32, #tpu.memory_space<hbm>>) target(%dma_start3A_33 : memref<640x128xf32, #tpu.memory_space<vmem_shared>>) target_semaphore(%run_scoped3A : memref<!tpu.dma_semaphore, #tpu.memory_space<semaphore_mem>>)
      %dma_wait3A = arith.constant 0 : i32
      %dma_wait3A_36 = tpu.memref_slice %arg14[%mul3A_2, %dma_wait3A] : memref<10240x128xf32, #tpu.memory_space<vmem_shared>> -> memref<640x128xf32, #tpu.memory_space<vmem_shared>>
      %dma_wait3A_37 = arith.constant 0 : i32
      %dma_wait3A_38 = tpu.memref_slice %arg6[%mul3A_0, %dma_wait3A_37] : memref<10240x128xf32, #tpu.memory_space<hbm>> -> memref<640x128xf32, #tpu.memory_space<hbm>>
      tpu.wait_dma2 semaphore(%run_scoped3A : memref<!tpu.dma_semaphore, #tpu.memory_space<semaphore_mem>>) src(%dma_wait3A_38 : memref<640x128xf32, #tpu.memory_space<hbm>>) dst(%dma_wait3A_36 : memref<640x128xf32, #tpu.memory_space<vmem_shared>>)
      tpu.yield
    }) : () -> ()
    %barrier3A = arith.constant 0 : index
    tpu.barrier barrier_id(%barrier3A)
    %mul3A_3 = arith.constant 80 : i32
    %mul3A_4 = arith.muli %arg1, %mul3A_3 : i32
    %mul3A_5 = arith.constant 128 : i32
    %mul3A_6 = arith.muli %mul3A_4, %mul3A_5 : i32
    "tpu.region"() ({
      %run_scoped3A = tpu.sem_alloc : memref<!tpu.dma_semaphore, #tpu.memory_space<semaphore_mem>>
      %dma_start3A_32 = tpu.memref_slice %arg3[%mul3A_6] : memref<163840xi32, #tpu.memory_space<hbm>> -> memref<10240xi32, #tpu.memory_space<hbm>>
      %dma_start3A_33 = tpu.memref_slice %arg3[%mul3A_6] : memref<163840xi32, #tpu.memory_space<hbm>> -> memref<10240xi32, #tpu.memory_space<hbm>>
      tpu.enqueue_dma source(%dma_start3A_33 : memref<10240xi32, #tpu.memory_space<hbm>>) target(%arg9 : memref<10240xi32, #tpu.memory_space<vmem>>) target_semaphore(%run_scoped3A : memref<!tpu.dma_semaphore, #tpu.memory_space<semaphore_mem>>)
      %dma_wait3A = tpu.memref_slice %arg3[%mul3A_6] : memref<163840xi32, #tpu.memory_space<hbm>> -> memref<10240xi32, #tpu.memory_space<hbm>>
      %dma_wait3A_34 = tpu.memref_slice %arg3[%mul3A_6] : memref<163840xi32, #tpu.memory_space<hbm>> -> memref<10240xi32, #tpu.memory_space<hbm>>
      tpu.wait_dma2 semaphore(%run_scoped3A : memref<!tpu.dma_semaphore, #tpu.memory_space<semaphore_mem>>) src(%dma_wait3A_34 : memref<10240xi32, #tpu.memory_space<hbm>>) dst(%arg9 : memref<10240xi32, #tpu.memory_space<vmem>>)
      tpu.yield
    }) : () -> ()
    %mul3A_7 = arith.constant 10240 : i32
    %mul3A_8 = arith.muli %arg0, %mul3A_7 : i32
    %parallel_loop3A = arith.constant 0 : i32
    %parallel_loop3A_9 = arith.constant 10240 : i32
    %parallel_loop3A_10 = arith.constant 16 : i32
    scf.for %parallel_loop3A_32 = %parallel_loop3A to %parallel_loop3A_9 step %parallel_loop3A_10  : i32 {
      %parallel_loop3A_33 = arith.index_cast %parallel_loop3A_32 : i32 to index
      %parallel_loop3A_34 = tpu.vector_load %arg9[%parallel_loop3A_33] {strides = array<i32>} : memref<10240xi32, #tpu.memory_space<vmem>>, vector<16xi32>,
      %parallel_loop3A_35 = vector.broadcast %mul3A_8 : i32 to vector<16xi32>
      %parallel_loop3A_36 = arith.addi %parallel_loop3A_34, %parallel_loop3A_35 : vector<16xi32>
      %parallel_loop3A_37 = arith.index_cast %parallel_loop3A_32 : i32 to index
      %parallel_loop3A_38 = tpu.vector_load %arg9[%parallel_loop3A_37] {strides = array<i32>} : memref<10240xi32, #tpu.memory_space<vmem>>, vector<16xi32>,
      tpu.vector_store %arg9[%parallel_loop3A_37], %parallel_loop3A_36 {strides = array<i32>} : memref<10240xi32, #tpu.memory_space<vmem>>, vector<16xi32>,
    } {sc.loop_unroll_factor = 4 : i64, sc.parallel_access}
    %dma_start3A = arith.constant 0 : i32
    %dma_start3A_11 = tpu.memref_slice %arg9[%dma_start3A] : memref<10240xi32, #tpu.memory_space<vmem>> -> memref<128xi32, #tpu.memory_space<vmem>>
    %dma_start3A_12 = arith.constant 0 : i32
    %dma_start3A_13 = arith.constant 0 : i32
    %dma_start3A_14 = tpu.memref_slice %arg2[%dma_start3A_12, %dma_start3A_13] : memref<20480x128xf32, #tpu.memory_space<hbm>> -> memref<20480x128xf32, #tpu.memory_space<hbm>>
    tpu.enqueue_indirect_dma source(%dma_start3A_14 : memref<20480x128xf32, #tpu.memory_space<hbm>>) target(%arg12 : memref<128x128xf32, #tpu.memory_space<vmem>>) offsets(%dma_start3A_11 : memref<128xi32, #tpu.memory_space<vmem>>) semaphore(%arg15 : memref<!tpu.dma_semaphore, #tpu.memory_space<semaphore_mem>>)
    %dma_start3A_15 = arith.constant 128 : i32
    %dma_start3A_16 = tpu.memref_slice %arg9[%dma_start3A_15] : memref<10240xi32, #tpu.memory_space<vmem>> -> memref<128xi32, #tpu.memory_space<vmem>>
    %dma_start3A_17 = arith.constant 0 : i32
    %dma_start3A_18 = arith.constant 0 : i32
    %dma_start3A_19 = tpu.memref_slice %arg2[%dma_start3A_17, %dma_start3A_18] : memref<20480x128xf32, #tpu.memory_space<hbm>> -> memref<20480x128xf32, #tpu.memory_space<hbm>>
    tpu.enqueue_indirect_dma source(%dma_start3A_19 : memref<20480x128xf32, #tpu.memory_space<hbm>>) target(%arg13 : memref<128x128xf32, #tpu.memory_space<vmem>>) offsets(%dma_start3A_16 : memref<128xi32, #tpu.memory_space<vmem>>) semaphore(%arg16 : memref<!tpu.dma_semaphore, #tpu.memory_space<semaphore_mem>>)
    %scan3A = arith.constant 0 : i32
    %scan3A_20 = arith.constant 5 : i32
    %scan3A_21 = arith.addi %scan3A, %scan3A_20 : i32
    %scan3A_22 = arith.constant 1 : i32
    scf.for %scan3A_32 = %scan3A to %scan3A_21 step %scan3A_22  : i32 {
      %mul3A_33 = arith.constant 1 : i32
      %mul3A_34 = arith.muli %scan3A_32, %mul3A_33 : i32
      %add3A = arith.constant 0 : i32
      %add3A_35 = arith.addi %add3A, %mul3A_34 : i32
      %mul3A_36 = arith.constant 80 : i32
      %mul3A_37 = arith.muli %arg1, %mul3A_36 : i32
      %mul3A_38 = arith.constant 16 : i32
      %mul3A_39 = arith.muli %add3A_35, %mul3A_38 : i32
      %add3A_40 = arith.addi %mul3A_37, %mul3A_39 : i32
      "tpu.region"() ({
        %run_scoped3A = tpu.sem_alloc : memref<!tpu.dma_semaphore, #tpu.memory_space<semaphore_mem>>
        %dma_start3A_51 = arith.constant 0 : i32
        %dma_start3A_52 = tpu.memref_slice %arg4[%add3A_40, %dma_start3A_51] : memref<1280x128xi32, #tpu.memory_space<hbm>> -> memref<16x128xi32, #tpu.memory_space<hbm>>
        %dma_start3A_53 = arith.constant 0 : i32
        %dma_start3A_54 = tpu.memref_slice %arg4[%add3A_40, %dma_start3A_53] : memref<1280x128xi32, #tpu.memory_space<hbm>> -> memref<16x128xi32, #tpu.memory_space<hbm>>
        tpu.enqueue_dma source(%dma_start3A_54 : memref<16x128xi32, #tpu.memory_space<hbm>>) target(%arg10 : memref<16x128xi32, #tpu.memory_space<vmem>>) target_semaphore(%run_scoped3A : memref<!tpu.dma_semaphore, #tpu.memory_space<semaphore_mem>>)
        %dma_wait3A = arith.constant 0 : i32
        %dma_wait3A_55 = tpu.memref_slice %arg4[%add3A_40, %dma_wait3A] : memref<1280x128xi32, #tpu.memory_space<hbm>> -> memref<16x128xi32, #tpu.memory_space<hbm>>
        %dma_wait3A_56 = arith.constant 0 : i32
        %dma_wait3A_57 = tpu.memref_slice %arg4[%add3A_40, %dma_wait3A_56] : memref<1280x128xi32, #tpu.memory_space<hbm>> -> memref<16x128xi32, #tpu.memory_space<hbm>>
        tpu.wait_dma2 semaphore(%run_scoped3A : memref<!tpu.dma_semaphore, #tpu.memory_space<semaphore_mem>>) src(%dma_wait3A_57 : memref<16x128xi32, #tpu.memory_space<hbm>>) dst(%arg10 : memref<16x128xi32, #tpu.memory_space<vmem>>)
        tpu.yield
      }) : () -> ()
      %mul3A_41 = arith.constant 80 : i32
      %mul3A_42 = arith.muli %arg1, %mul3A_41 : i32
      %mul3A_43 = arith.constant 16 : i32
      %mul3A_44 = arith.muli %add3A_35, %mul3A_43 : i32
      %add3A_45 = arith.addi %mul3A_42, %mul3A_44 : i32
      "tpu.region"() ({
        %run_scoped3A = tpu.sem_alloc : memref<!tpu.dma_semaphore, #tpu.memory_space<semaphore_mem>>
        %dma_start3A_51 = arith.constant 0 : i32
        %dma_start3A_52 = tpu.memref_slice %arg5[%add3A_45, %dma_start3A_51] : memref<1280x128xf32, #tpu.memory_space<hbm>> -> memref<16x128xf32, #tpu.memory_space<hbm>>
        %dma_start3A_53 = arith.constant 0 : i32
        %dma_start3A_54 = tpu.memref_slice %arg5[%add3A_45, %dma_start3A_53] : memref<1280x128xf32, #tpu.memory_space<hbm>> -> memref<16x128xf32, #tpu.memory_space<hbm>>
        tpu.enqueue_dma source(%dma_start3A_54 : memref<16x128xf32, #tpu.memory_space<hbm>>) target(%arg11 : memref<16x128xf32, #tpu.memory_space<vmem>>) target_semaphore(%run_scoped3A : memref<!tpu.dma_semaphore, #tpu.memory_space<semaphore_mem>>)
        %dma_wait3A = arith.constant 0 : i32
        %dma_wait3A_55 = tpu.memref_slice %arg5[%add3A_45, %dma_wait3A] : memref<1280x128xf32, #tpu.memory_space<hbm>> -> memref<16x128xf32, #tpu.memory_space<hbm>>
        %dma_wait3A_56 = arith.constant 0 : i32
        %dma_wait3A_57 = tpu.memref_slice %arg5[%add3A_45, %dma_wait3A_56] : memref<1280x128xf32, #tpu.memory_space<hbm>> -> memref<16x128xf32, #tpu.memory_space<hbm>>
        tpu.wait_dma2 semaphore(%run_scoped3A : memref<!tpu.dma_semaphore, #tpu.memory_space<semaphore_mem>>) src(%dma_wait3A_57 : memref<16x128xf32, #tpu.memory_space<hbm>>) dst(%arg11 : memref<16x128xf32, #tpu.memory_space<vmem>>)
        tpu.yield
      }) : () -> ()
      %scan3A_46 = arith.constant 0 : i32
      %scan3A_47 = arith.constant 8 : i32
      %scan3A_48 = arith.addi %scan3A_46, %scan3A_47 : i32
      %scan3A_49 = arith.constant 1 : i32
      scf.for %scan3A_51 = %scan3A_46 to %scan3A_48 step %scan3A_49  : i32 {
        %mul3A_52 = arith.constant 2 : i32
        %mul3A_53 = arith.muli %scan3A_51, %mul3A_52 : i32
        %add3A_54 = arith.constant 0 : i32
        %add3A_55 = arith.addi %add3A_54, %mul3A_53 : i32
        %mul3A_56 = arith.constant 16 : i32
        %mul3A_57 = arith.muli %add3A_35, %mul3A_56 : i32
        %add3A_58 = arith.addi %mul3A_57, %add3A_55 : i32
        %mul3A_59 = arith.constant 128 : i32
        %mul3A_60 = arith.muli %add3A_58, %mul3A_59 : i32
        %dma_wait3A = tpu.memref_slice %arg9[%mul3A_60] : memref<10240xi32, #tpu.memory_space<vmem>> -> memref<128xi32, #tpu.memory_space<vmem>>
        %dma_wait3A_61 = arith.constant 0 : i32
        %dma_wait3A_62 = arith.constant 0 : i32
        %dma_wait3A_63 = tpu.memref_slice %arg2[%dma_wait3A_61, %dma_wait3A_62] : memref<20480x128xf32, #tpu.memory_space<hbm>> -> memref<20480x128xf32, #tpu.memory_space<hbm>>
        tpu.wait_indirect_dma semaphore(%arg15 : memref<!tpu.dma_semaphore, #tpu.memory_space<semaphore_mem>>) src(%dma_wait3A_63 : memref<20480x128xf32, #tpu.memory_space<hbm>>) dst(%arg12 : memref<128x128xf32, #tpu.memory_space<vmem>>)
        %broadcast_in_dim3A = vector.broadcast %add3A_55 : i32 to vector<16xi32>
        %parallel_loop3A_64 = arith.constant 0 : i32
        %parallel_loop3A_65 = arith.constant 128 : i32
        %parallel_loop3A_66 = arith.constant 1 : i32
        scf.for %parallel_loop3A_96 = %parallel_loop3A_64 to %parallel_loop3A_65 step %parallel_loop3A_66  : i32 {
          %parallel_loop3A_97 = vector.broadcast %parallel_loop3A_96 : i32 to vector<16xi32>
          %parallel_loop3A_98 = tpu.vector_load_idx %arg11[%broadcast_in_dim3A, %parallel_loop3A_97] : memref<16x128xf32, #tpu.memory_space<vmem>>[vector<16xi32>, vector<16xi32>], vector<16xf32>,
          %parallel_loop3A_99 = arith.index_cast %parallel_loop3A_96 : i32 to index
          %parallel_loop3A_100 = arith.constant 0 : index
          %parallel_loop3A_101 = tpu.vector_load %arg12[%parallel_loop3A_99, %parallel_loop3A_100] {strides = array<i32>} : memref<128x128xf32, #tpu.memory_space<vmem>>, vector<16xf32>,
          %parallel_loop3A_102 = arith.mulf %parallel_loop3A_101, %parallel_loop3A_98 : vector<16xf32>
          %parallel_loop3A_103 = arith.index_cast %parallel_loop3A_96 : i32 to index
          %parallel_loop3A_104 = arith.constant 0 : index
          %parallel_loop3A_105 = tpu.vector_load %arg12[%parallel_loop3A_103, %parallel_loop3A_104] {strides = array<i32>} : memref<128x128xf32, #tpu.memory_space<vmem>>, vector<16xf32>,
          tpu.vector_store %arg12[%parallel_loop3A_103, %parallel_loop3A_104], %parallel_loop3A_102 {strides = array<i32>} : memref<128x128xf32, #tpu.memory_space<vmem>>, vector<16xf32>,
          %parallel_loop3A_106 = arith.index_cast %parallel_loop3A_96 : i32 to index
          %parallel_loop3A_107 = arith.constant 16 : index
          %parallel_loop3A_108 = tpu.vector_load %arg12[%parallel_loop3A_106, %parallel_loop3A_107] {strides = array<i32>} : memref<128x128xf32, #tpu.memory_space<vmem>>, vector<16xf32>,
          %parallel_loop3A_109 = arith.mulf %parallel_loop3A_108, %parallel_loop3A_98 : vector<16xf32>
          %parallel_loop3A_110 = arith.index_cast %parallel_loop3A_96 : i32 to index
          %parallel_loop3A_111 = arith.constant 16 : index
          %parallel_loop3A_112 = tpu.vector_load %arg12[%parallel_loop3A_110, %parallel_loop3A_111] {strides = array<i32>} : memref<128x128xf32, #tpu.memory_space<vmem>>, vector<16xf32>,
          tpu.vector_store %arg12[%parallel_loop3A_110, %parallel_loop3A_111], %parallel_loop3A_109 {strides = array<i32>} : memref<128x128xf32, #tpu.memory_space<vmem>>, vector<16xf32>,
          %parallel_loop3A_113 = arith.index_cast %parallel_loop3A_96 : i32 to index
          %parallel_loop3A_114 = arith.constant 32 : index
          %parallel_loop3A_115 = tpu.vector_load %arg12[%parallel_loop3A_113, %parallel_loop3A_114] {strides = array<i32>} : memref<128x128xf32, #tpu.memory_space<vmem>>, vector<16xf32>,
          %parallel_loop3A_116 = arith.mulf %parallel_loop3A_115, %parallel_loop3A_98 : vector<16xf32>
          %parallel_loop3A_117 = arith.index_cast %parallel_loop3A_96 : i32 to index
          %parallel_loop3A_118 = arith.constant 32 : index
          %parallel_loop3A_119 = tpu.vector_load %arg12[%parallel_loop3A_117, %parallel_loop3A_118] {strides = array<i32>} : memref<128x128xf32, #tpu.memory_space<vmem>>, vector<16xf32>,
          tpu.vector_store %arg12[%parallel_loop3A_117, %parallel_loop3A_118], %parallel_loop3A_116 {strides = array<i32>} : memref<128x128xf32, #tpu.memory_space<vmem>>, vector<16xf32>,
          %parallel_loop3A_120 = arith.index_cast %parallel_loop3A_96 : i32 to index
          %parallel_loop3A_121 = arith.constant 48 : index
          %parallel_loop3A_122 = tpu.vector_load %arg12[%parallel_loop3A_120, %parallel_loop3A_121] {strides = array<i32>} : memref<128x128xf32, #tpu.memory_space<vmem>>, vector<16xf32>,
          %parallel_loop3A_123 = arith.mulf %parallel_loop3A_122, %parallel_loop3A_98 : vector<16xf32>
          %parallel_loop3A_124 = arith.index_cast %parallel_loop3A_96 : i32 to index
          %parallel_loop3A_125 = arith.constant 48 : index
          %parallel_loop3A_126 = tpu.vector_load %arg12[%parallel_loop3A_124, %parallel_loop3A_125] {strides = array<i32>} : memref<128x128xf32, #tpu.memory_space<vmem>>, vector<16xf32>,
          tpu.vector_store %arg12[%parallel_loop3A_124, %parallel_loop3A_125], %parallel_loop3A_123 {strides = array<i32>} : memref<128x128xf32, #tpu.memory_space<vmem>>, vector<16xf32>,
          %parallel_loop3A_127 = arith.index_cast %parallel_loop3A_96 : i32 to index
          %parallel_loop3A_128 = arith.constant 64 : index
          %parallel_loop3A_129 = tpu.vector_load %arg12[%parallel_loop3A_127, %parallel_loop3A_128] {strides = array<i32>} : memref<128x128xf32, #tpu.memory_space<vmem>>, vector<16xf32>,
          %parallel_loop3A_130 = arith.mulf %parallel_loop3A_129, %parallel_loop3A_98 : vector<16xf32>
          %parallel_loop3A_131 = arith.index_cast %parallel_loop3A_96 : i32 to index
          %parallel_loop3A_132 = arith.constant 64 : index
          %parallel_loop3A_133 = tpu.vector_load %arg12[%parallel_loop3A_131, %parallel_loop3A_132] {strides = array<i32>} : memref<128x128xf32, #tpu.memory_space<vmem>>, vector<16xf32>,
          tpu.vector_store %arg12[%parallel_loop3A_131, %parallel_loop3A_132], %parallel_loop3A_130 {strides = array<i32>} : memref<128x128xf32, #tpu.memory_space<vmem>>, vector<16xf32>,
          %parallel_loop3A_134 = arith.index_cast %parallel_loop3A_96 : i32 to index
          %parallel_loop3A_135 = arith.constant 80 : index
          %parallel_loop3A_136 = tpu.vector_load %arg12[%parallel_loop3A_134, %parallel_loop3A_135] {strides = array<i32>} : memref<128x128xf32, #tpu.memory_space<vmem>>, vector<16xf32>,
          %parallel_loop3A_137 = arith.mulf %parallel_loop3A_136, %parallel_loop3A_98 : vector<16xf32>
          %parallel_loop3A_138 = arith.index_cast %parallel_loop3A_96 : i32 to index
          %parallel_loop3A_139 = arith.constant 80 : index
          %parallel_loop3A_140 = tpu.vector_load %arg12[%parallel_loop3A_138, %parallel_loop3A_139] {strides = array<i32>} : memref<128x128xf32, #tpu.memory_space<vmem>>, vector<16xf32>,
          tpu.vector_store %arg12[%parallel_loop3A_138, %parallel_loop3A_139], %parallel_loop3A_137 {strides = array<i32>} : memref<128x128xf32, #tpu.memory_space<vmem>>, vector<16xf32>,
          %parallel_loop3A_141 = arith.index_cast %parallel_loop3A_96 : i32 to index
          %parallel_loop3A_142 = arith.constant 96 : index
          %parallel_loop3A_143 = tpu.vector_load %arg12[%parallel_loop3A_141, %parallel_loop3A_142] {strides = array<i32>} : memref<128x128xf32, #tpu.memory_space<vmem>>, vector<16xf32>,
          %parallel_loop3A_144 = arith.mulf %parallel_loop3A_143, %parallel_loop3A_98 : vector<16xf32>
          %parallel_loop3A_145 = arith.index_cast %parallel_loop3A_96 : i32 to index
          %parallel_loop3A_146 = arith.constant 96 : index
          %parallel_loop3A_147 = tpu.vector_load %arg12[%parallel_loop3A_145, %parallel_loop3A_146] {strides = array<i32>} : memref<128x128xf32, #tpu.memory_space<vmem>>, vector<16xf32>,
          tpu.vector_store %arg12[%parallel_loop3A_145, %parallel_loop3A_146], %parallel_loop3A_144 {strides = array<i32>} : memref<128x128xf32, #tpu.memory_space<vmem>>, vector<16xf32>,
          %parallel_loop3A_148 = arith.index_cast %parallel_loop3A_96 : i32 to index
          %parallel_loop3A_149 = arith.constant 112 : index
          %parallel_loop3A_150 = tpu.vector_load %arg12[%parallel_loop3A_148, %parallel_loop3A_149] {strides = array<i32>} : memref<128x128xf32, #tpu.memory_space<vmem>>, vector<16xf32>,
          %parallel_loop3A_151 = arith.mulf %parallel_loop3A_150, %parallel_loop3A_98 : vector<16xf32>
          %parallel_loop3A_152 = arith.index_cast %parallel_loop3A_96 : i32 to index
          %parallel_loop3A_153 = arith.constant 112 : index
          %parallel_loop3A_154 = tpu.vector_load %arg12[%parallel_loop3A_152, %parallel_loop3A_153] {strides = array<i32>} : memref<128x128xf32, #tpu.memory_space<vmem>>, vector<16xf32>,
          tpu.vector_store %arg12[%parallel_loop3A_152, %parallel_loop3A_153], %parallel_loop3A_151 {strides = array<i32>} : memref<128x128xf32, #tpu.memory_space<vmem>>, vector<16xf32>,
        } {sc.loop_unroll_factor = 8 : i64, sc.parallel_access}
        "tpu.region"() ({
          %run_scoped3A = tpu.sem_alloc : memref<!tpu.dma_semaphore, #tpu.memory_space<semaphore_mem>>
          %dma_start3A_96 = arith.constant 0 : i32
          %dma_start3A_97 = tpu.memref_slice %arg10[%add3A_55, %dma_start3A_96] : memref<16x128xi32, #tpu.memory_space<vmem>> -> memref<1x128xi32, #tpu.memory_space<vmem>>
          %dma_start3A_98 = tpu.memref_squeeze %dma_start3A_97 : memref<1x128xi32, #tpu.memory_space<vmem>> -> memref<128xi32, #tpu.memory_space<vmem>>
          %dma_start3A_99 = arith.constant 0 : i32
          %dma_start3A_100 = arith.constant 0 : i32
          %dma_start3A_101 = tpu.memref_slice %arg14[%dma_start3A_99, %dma_start3A_100] : memref<10240x128xf32, #tpu.memory_space<vmem_shared>> -> memref<10240x128xf32, #tpu.memory_space<vmem_shared>>
          tpu.enqueue_indirect_dma source(%arg12 : memref<128x128xf32, #tpu.memory_space<vmem>>) target(%dma_start3A_101 : memref<10240x128xf32, #tpu.memory_space<vmem_shared>>) offsets(%dma_start3A_98 : memref<128xi32, #tpu.memory_space<vmem>>) semaphore(%run_scoped3A : memref<!tpu.dma_semaphore, #tpu.memory_space<semaphore_mem>>) {add = true}
          %dma_wait3A_102 = arith.constant 0 : i32
          %dma_wait3A_103 = tpu.memref_slice %arg10[%add3A_55, %dma_wait3A_102] : memref<16x128xi32, #tpu.memory_space<vmem>> -> memref<1x128xi32, #tpu.memory_space<vmem>>
          %dma_wait3A_104 = tpu.memref_squeeze %dma_wait3A_103 : memref<1x128xi32, #tpu.memory_space<vmem>> -> memref<128xi32, #tpu.memory_space<vmem>>
          %dma_wait3A_105 = arith.constant 0 : i32
          %dma_wait3A_106 = arith.constant 0 : i32
          %dma_wait3A_107 = tpu.memref_slice %arg14[%dma_wait3A_105, %dma_wait3A_106] : memref<10240x128xf32, #tpu.memory_space<vmem_shared>> -> memref<10240x128xf32, #tpu.memory_space<vmem_shared>>
          tpu.wait_indirect_dma semaphore(%run_scoped3A : memref<!tpu.dma_semaphore, #tpu.memory_space<semaphore_mem>>) src(%arg12 : memref<128x128xf32, #tpu.memory_space<vmem>>) dst(%dma_wait3A_107 : memref<10240x128xf32, #tpu.memory_space<vmem_shared>>)
          tpu.yield
        }) : () -> ()
        %add3A_67 = arith.constant 2 : i32
        %add3A_68 = arith.addi %add3A_58, %add3A_67 : i32
        %lt3A = arith.constant 80 : i32
        %lt3A_69 = arith.cmpi slt, %add3A_68, %lt3A : i32
        %convert_element_type3A_70 = arith.extui %lt3A_69 : i1 to i32
        %cond3A_71 = arith.constant 0 : i32
        %cond3A_72 = arith.cmpi ne, %convert_element_type3A_70, %cond3A_71 : i32
        scf.if %cond3A_72 {
          %add3A_96 = arith.constant 2 : i32
          %add3A_97 = arith.addi %add3A_58, %add3A_96 : i32
          %mul3A_98 = arith.constant 128 : i32
          %mul3A_99 = arith.muli %add3A_97, %mul3A_98 : i32
          %dma_start3A_100 = tpu.memref_slice %arg9[%mul3A_99] : memref<10240xi32, #tpu.memory_space<vmem>> -> memref<128xi32, #tpu.memory_space<vmem>>
          %dma_start3A_101 = arith.constant 0 : i32
          %dma_start3A_102 = arith.constant 0 : i32
          %dma_start3A_103 = tpu.memref_slice %arg2[%dma_start3A_101, %dma_start3A_102] : memref<20480x128xf32, #tpu.memory_space<hbm>> -> memref<20480x128xf32, #tpu.memory_space<hbm>>
          tpu.enqueue_indirect_dma source(%dma_start3A_103 : memref<20480x128xf32, #tpu.memory_space<hbm>>) target(%arg12 : memref<128x128xf32, #tpu.memory_space<vmem>>) offsets(%dma_start3A_100 : memref<128xi32, #tpu.memory_space<vmem>>) semaphore(%arg15 : memref<!tpu.dma_semaphore, #tpu.memory_space<semaphore_mem>>)
        } else {
        }
        %add3A_73 = arith.constant 1 : i32
        %add3A_74 = arith.addi %add3A_58, %add3A_73 : i32
        %mul3A_75 = arith.constant 128 : i32
        %mul3A_76 = arith.muli %add3A_74, %mul3A_75 : i32
        %dma_wait3A_77 = tpu.memref_slice %arg9[%mul3A_76] : memref<10240xi32, #tpu.memory_space<vmem>> -> memref<128xi32, #tpu.memory_space<vmem>>
        %dma_wait3A_78 = arith.constant 0 : i32
        %dma_wait3A_79 = arith.constant 0 : i32
        %dma_wait3A_80 = tpu.memref_slice %arg2[%dma_wait3A_78, %dma_wait3A_79] : memref<20480x128xf32, #tpu.memory_space<hbm>> -> memref<20480x128xf32, #tpu.memory_space<hbm>>
        tpu.wait_indirect_dma semaphore(%arg16 : memref<!tpu.dma_semaphore, #tpu.memory_space<semaphore_mem>>) src(%dma_wait3A_80 : memref<20480x128xf32, #tpu.memory_space<hbm>>) dst(%arg13 : memref<128x128xf32, #tpu.memory_space<vmem>>)
        %add3A_81 = arith.constant 1 : i32
        %add3A_82 = arith.addi %add3A_55, %add3A_81 : i32
        %broadcast_in_dim3A_83 = vector.broadcast %add3A_82 : i32 to vector<16xi32>
        %parallel_loop3A_84 = arith.constant 0 : i32
        %parallel_loop3A_85 = arith.constant 128 : i32
        %parallel_loop3A_86 = arith.constant 1 : i32
        scf.for %parallel_loop3A_96 = %parallel_loop3A_84 to %parallel_loop3A_85 step %parallel_loop3A_86  : i32 {
          %parallel_loop3A_97 = vector.broadcast %parallel_loop3A_96 : i32 to vector<16xi32>
          %parallel_loop3A_98 = tpu.vector_load_idx %arg11[%broadcast_in_dim3A_83, %parallel_loop3A_97] : memref<16x128xf32, #tpu.memory_space<vmem>>[vector<16xi32>, vector<16xi32>], vector<16xf32>,
          %parallel_loop3A_99 = arith.index_cast %parallel_loop3A_96 : i32 to index
          %parallel_loop3A_100 = arith.constant 0 : index
          %parallel_loop3A_101 = tpu.vector_load %arg13[%parallel_loop3A_99, %parallel_loop3A_100] {strides = array<i32>} : memref<128x128xf32, #tpu.memory_space<vmem>>, vector<16xf32>,
          %parallel_loop3A_102 = arith.mulf %parallel_loop3A_101, %parallel_loop3A_98 : vector<16xf32>
          %parallel_loop3A_103 = arith.index_cast %parallel_loop3A_96 : i32 to index
          %parallel_loop3A_104 = arith.constant 0 : index
          %parallel_loop3A_105 = tpu.vector_load %arg13[%parallel_loop3A_103, %parallel_loop3A_104] {strides = array<i32>} : memref<128x128xf32, #tpu.memory_space<vmem>>, vector<16xf32>,
          tpu.vector_store %arg13[%parallel_loop3A_103, %parallel_loop3A_104], %parallel_loop3A_102 {strides = array<i32>} : memref<128x128xf32, #tpu.memory_space<vmem>>, vector<16xf32>,
          %parallel_loop3A_106 = arith.index_cast %parallel_loop3A_96 : i32 to index
          %parallel_loop3A_107 = arith.constant 16 : index
          %parallel_loop3A_108 = tpu.vector_load %arg13[%parallel_loop3A_106, %parallel_loop3A_107] {strides = array<i32>} : memref<128x128xf32, #tpu.memory_space<vmem>>, vector<16xf32>,
          %parallel_loop3A_109 = arith.mulf %parallel_loop3A_108, %parallel_loop3A_98 : vector<16xf32>
          %parallel_loop3A_110 = arith.index_cast %parallel_loop3A_96 : i32 to index
          %parallel_loop3A_111 = arith.constant 16 : index
          %parallel_loop3A_112 = tpu.vector_load %arg13[%parallel_loop3A_110, %parallel_loop3A_111] {strides = array<i32>} : memref<128x128xf32, #tpu.memory_space<vmem>>, vector<16xf32>,
          tpu.vector_store %arg13[%parallel_loop3A_110, %parallel_loop3A_111], %parallel_loop3A_109 {strides = array<i32>} : memref<128x128xf32, #tpu.memory_space<vmem>>, vector<16xf32>,
          %parallel_loop3A_113 = arith.index_cast %parallel_loop3A_96 : i32 to index
          %parallel_loop3A_114 = arith.constant 32 : index
          %parallel_loop3A_115 = tpu.vector_load %arg13[%parallel_loop3A_113, %parallel_loop3A_114] {strides = array<i32>} : memref<128x128xf32, #tpu.memory_space<vmem>>, vector<16xf32>,
          %parallel_loop3A_116 = arith.mulf %parallel_loop3A_115, %parallel_loop3A_98 : vector<16xf32>
          %parallel_loop3A_117 = arith.index_cast %parallel_loop3A_96 : i32 to index
          %parallel_loop3A_118 = arith.constant 32 : index
          %parallel_loop3A_119 = tpu.vector_load %arg13[%parallel_loop3A_117, %parallel_loop3A_118] {strides = array<i32>} : memref<128x128xf32, #tpu.memory_space<vmem>>, vector<16xf32>,
          tpu.vector_store %arg13[%parallel_loop3A_117, %parallel_loop3A_118], %parallel_loop3A_116 {strides = array<i32>} : memref<128x128xf32, #tpu.memory_space<vmem>>, vector<16xf32>,
          %parallel_loop3A_120 = arith.index_cast %parallel_loop3A_96 : i32 to index
          %parallel_loop3A_121 = arith.constant 48 : index
          %parallel_loop3A_122 = tpu.vector_load %arg13[%parallel_loop3A_120, %parallel_loop3A_121] {strides = array<i32>} : memref<128x128xf32, #tpu.memory_space<vmem>>, vector<16xf32>,
          %parallel_loop3A_123 = arith.mulf %parallel_loop3A_122, %parallel_loop3A_98 : vector<16xf32>
          %parallel_loop3A_124 = arith.index_cast %parallel_loop3A_96 : i32 to index
          %parallel_loop3A_125 = arith.constant 48 : index
          %parallel_loop3A_126 = tpu.vector_load %arg13[%parallel_loop3A_124, %parallel_loop3A_125] {strides = array<i32>} : memref<128x128xf32, #tpu.memory_space<vmem>>, vector<16xf32>,
          tpu.vector_store %arg13[%parallel_loop3A_124, %parallel_loop3A_125], %parallel_loop3A_123 {strides = array<i32>} : memref<128x128xf32, #tpu.memory_space<vmem>>, vector<16xf32>,
          %parallel_loop3A_127 = arith.index_cast %parallel_loop3A_96 : i32 to index
          %parallel_loop3A_128 = arith.constant 64 : index
          %parallel_loop3A_129 = tpu.vector_load %arg13[%parallel_loop3A_127, %parallel_loop3A_128] {strides = array<i32>} : memref<128x128xf32, #tpu.memory_space<vmem>>, vector<16xf32>,
          %parallel_loop3A_130 = arith.mulf %parallel_loop3A_129, %parallel_loop3A_98 : vector<16xf32>
          %parallel_loop3A_131 = arith.index_cast %parallel_loop3A_96 : i32 to index
          %parallel_loop3A_132 = arith.constant 64 : index
          %parallel_loop3A_133 = tpu.vector_load %arg13[%parallel_loop3A_131, %parallel_loop3A_132] {strides = array<i32>} : memref<128x128xf32, #tpu.memory_space<vmem>>, vector<16xf32>,
          tpu.vector_store %arg13[%parallel_loop3A_131, %parallel_loop3A_132], %parallel_loop3A_130 {strides = array<i32>} : memref<128x128xf32, #tpu.memory_space<vmem>>, vector<16xf32>,
          %parallel_loop3A_134 = arith.index_cast %parallel_loop3A_96 : i32 to index
          %parallel_loop3A_135 = arith.constant 80 : index
          %parallel_loop3A_136 = tpu.vector_load %arg13[%parallel_loop3A_134, %parallel_loop3A_135] {strides = array<i32>} : memref<128x128xf32, #tpu.memory_space<vmem>>, vector<16xf32>,
          %parallel_loop3A_137 = arith.mulf %parallel_loop3A_136, %parallel_loop3A_98 : vector<16xf32>
          %parallel_loop3A_138 = arith.index_cast %parallel_loop3A_96 : i32 to index
          %parallel_loop3A_139 = arith.constant 80 : index
          %parallel_loop3A_140 = tpu.vector_load %arg13[%parallel_loop3A_138, %parallel_loop3A_139] {strides = array<i32>} : memref<128x128xf32, #tpu.memory_space<vmem>>, vector<16xf32>,
          tpu.vector_store %arg13[%parallel_loop3A_138, %parallel_loop3A_139], %parallel_loop3A_137 {strides = array<i32>} : memref<128x128xf32, #tpu.memory_space<vmem>>, vector<16xf32>,
          %parallel_loop3A_141 = arith.index_cast %parallel_loop3A_96 : i32 to index
          %parallel_loop3A_142 = arith.constant 96 : index
          %parallel_loop3A_143 = tpu.vector_load %arg13[%parallel_loop3A_141, %parallel_loop3A_142] {strides = array<i32>} : memref<128x128xf32, #tpu.memory_space<vmem>>, vector<16xf32>,
          %parallel_loop3A_144 = arith.mulf %parallel_loop3A_143, %parallel_loop3A_98 : vector<16xf32>
          %parallel_loop3A_145 = arith.index_cast %parallel_loop3A_96 : i32 to index
          %parallel_loop3A_146 = arith.constant 96 : index
          %parallel_loop3A_147 = tpu.vector_load %arg13[%parallel_loop3A_145, %parallel_loop3A_146] {strides = array<i32>} : memref<128x128xf32, #tpu.memory_space<vmem>>, vector<16xf32>,
          tpu.vector_store %arg13[%parallel_loop3A_145, %parallel_loop3A_146], %parallel_loop3A_144 {strides = array<i32>} : memref<128x128xf32, #tpu.memory_space<vmem>>, vector<16xf32>,
          %parallel_loop3A_148 = arith.index_cast %parallel_loop3A_96 : i32 to index
          %parallel_loop3A_149 = arith.constant 112 : index
          %parallel_loop3A_150 = tpu.vector_load %arg13[%parallel_loop3A_148, %parallel_loop3A_149] {strides = array<i32>} : memref<128x128xf32, #tpu.memory_space<vmem>>, vector<16xf32>,
          %parallel_loop3A_151 = arith.mulf %parallel_loop3A_150, %parallel_loop3A_98 : vector<16xf32>
          %parallel_loop3A_152 = arith.index_cast %parallel_loop3A_96 : i32 to index
          %parallel_loop3A_153 = arith.constant 112 : index
          %parallel_loop3A_154 = tpu.vector_load %arg13[%parallel_loop3A_152, %parallel_loop3A_153] {strides = array<i32>} : memref<128x128xf32, #tpu.memory_space<vmem>>, vector<16xf32>,
          tpu.vector_store %arg13[%parallel_loop3A_152, %parallel_loop3A_153], %parallel_loop3A_151 {strides = array<i32>} : memref<128x128xf32, #tpu.memory_space<vmem>>, vector<16xf32>,
        } {sc.loop_unroll_factor = 8 : i64, sc.parallel_access}
        %add3A_87 = arith.constant 1 : i32
        %add3A_88 = arith.addi %add3A_55, %add3A_87 : i32
        "tpu.region"() ({
          %run_scoped3A = tpu.sem_alloc : memref<!tpu.dma_semaphore, #tpu.memory_space<semaphore_mem>>
          %dma_start3A_96 = arith.constant 0 : i32
          %dma_start3A_97 = tpu.memref_slice %arg10[%add3A_88, %dma_start3A_96] : memref<16x128xi32, #tpu.memory_space<vmem>> -> memref<1x128xi32, #tpu.memory_space<vmem>>
          %dma_start3A_98 = tpu.memref_squeeze %dma_start3A_97 : memref<1x128xi32, #tpu.memory_space<vmem>> -> memref<128xi32, #tpu.memory_space<vmem>>
          %dma_start3A_99 = arith.constant 0 : i32
          %dma_start3A_100 = arith.constant 0 : i32
          %dma_start3A_101 = tpu.memref_slice %arg14[%dma_start3A_99, %dma_start3A_100] : memref<10240x128xf32, #tpu.memory_space<vmem_shared>> -> memref<10240x128xf32, #tpu.memory_space<vmem_shared>>
          tpu.enqueue_indirect_dma source(%arg13 : memref<128x128xf32, #tpu.memory_space<vmem>>) target(%dma_start3A_101 : memref<10240x128xf32, #tpu.memory_space<vmem_shared>>) offsets(%dma_start3A_98 : memref<128xi32, #tpu.memory_space<vmem>>) semaphore(%run_scoped3A : memref<!tpu.dma_semaphore, #tpu.memory_space<semaphore_mem>>) {add = true}
          %dma_wait3A_102 = arith.constant 0 : i32
          %dma_wait3A_103 = tpu.memref_slice %arg10[%add3A_88, %dma_wait3A_102] : memref<16x128xi32, #tpu.memory_space<vmem>> -> memref<1x128xi32, #tpu.memory_space<vmem>>
          %dma_wait3A_104 = tpu.memref_squeeze %dma_wait3A_103 : memref<1x128xi32, #tpu.memory_space<vmem>> -> memref<128xi32, #tpu.memory_space<vmem>>
          %dma_wait3A_105 = arith.constant 0 : i32
          %dma_wait3A_106 = arith.constant 0 : i32
          %dma_wait3A_107 = tpu.memref_slice %arg14[%dma_wait3A_105, %dma_wait3A_106] : memref<10240x128xf32, #tpu.memory_space<vmem_shared>> -> memref<10240x128xf32, #tpu.memory_space<vmem_shared>>
          tpu.wait_indirect_dma semaphore(%run_scoped3A : memref<!tpu.dma_semaphore, #tpu.memory_space<semaphore_mem>>) src(%arg13 : memref<128x128xf32, #tpu.memory_space<vmem>>) dst(%dma_wait3A_107 : memref<10240x128xf32, #tpu.memory_space<vmem_shared>>)
          tpu.yield
        }) : () -> ()
        %add3A_89 = arith.constant 3 : i32
        %add3A_90 = arith.addi %add3A_58, %add3A_89 : i32
        %lt3A_91 = arith.constant 80 : i32
        %lt3A_92 = arith.cmpi slt, %add3A_90, %lt3A_91 : i32
        %convert_element_type3A_93 = arith.extui %lt3A_92 : i1 to i32
        %cond3A_94 = arith.constant 0 : i32
        %cond3A_95 = arith.cmpi ne, %convert_element_type3A_93, %cond3A_94 : i32
        scf.if %cond3A_95 {
          %add3A_96 = arith.constant 3 : i32
          %add3A_97 = arith.addi %add3A_58, %add3A_96 : i32
          %mul3A_98 = arith.constant 128 : i32
          %mul3A_99 = arith.muli %add3A_97, %mul3A_98 : i32
          %dma_start3A_100 = tpu.memref_slice %arg9[%mul3A_99] : memref<10240xi32, #tpu.memory_space<vmem>> -> memref<128xi32, #tpu.memory_space<vmem>>
          %dma_start3A_101 = arith.constant 0 : i32
          %dma_start3A_102 = arith.constant 0 : i32
          %dma_start3A_103 = tpu.memref_slice %arg2[%dma_start3A_101, %dma_start3A_102] : memref<20480x128xf32, #tpu.memory_space<hbm>> -> memref<20480x128xf32, #tpu.memory_space<hbm>>
          tpu.enqueue_indirect_dma source(%dma_start3A_103 : memref<20480x128xf32, #tpu.memory_space<hbm>>) target(%arg13 : memref<128x128xf32, #tpu.memory_space<vmem>>) offsets(%dma_start3A_100 : memref<128xi32, #tpu.memory_space<vmem>>) semaphore(%arg16 : memref<!tpu.dma_semaphore, #tpu.memory_space<semaphore_mem>>)
        } else {
        }
      }
      %scan3A_50 = arith.constant 8 : i32
    }
    %scan3A_23 = arith.constant 5 : i32
    %barrier3A_24 = arith.constant 0 : index
    tpu.barrier barrier_id(%barrier3A_24)
    %eq3A = arith.constant 0 : i32
    %eq3A_25 = arith.cmpi eq, %arg0, %eq3A : i32
    %convert_element_type3A = arith.extui %eq3A_25 : i1 to i32
    %cond3A = arith.constant 0 : i32
    %cond3A_26 = arith.cmpi ne, %convert_element_type3A, %cond3A : i32
    scf.if %cond3A_26 {
      %mul3A_32 = arith.constant 640 : i32
      %mul3A_33 = arith.muli %arg1, %mul3A_32 : i32
      %mul3A_34 = arith.constant 640 : i32
      %mul3A_35 = arith.muli %arg1, %mul3A_34 : i32
      "tpu.region"() ({
        %run_scoped3A = tpu.sem_alloc : memref<!tpu.dma_semaphore, #tpu.memory_space<semaphore_mem>>
        %dma_start3A_36 = arith.constant 0 : i32
        %dma_start3A_37 = tpu.memref_slice %arg7[%mul3A_35, %dma_start3A_36] : memref<10240x128xf32, #tpu.memory_space<hbm>> -> memref<640x128xf32, #tpu.memory_space<hbm>>
        %dma_start3A_38 = arith.constant 0 : i32
        %dma_start3A_39 = tpu.memref_slice %arg14[%mul3A_33, %dma_start3A_38] : memref<10240x128xf32, #tpu.memory_space<vmem_shared>> -> memref<640x128xf32, #tpu.memory_space<vmem_shared>>
        tpu.enqueue_dma source(%dma_start3A_39 : memref<640x128xf32, #tpu.memory_space<vmem_shared>>) target(%dma_start3A_37 : memref<640x128xf32, #tpu.memory_space<hbm>>) target_semaphore(%run_scoped3A : memref<!tpu.dma_semaphore, #tpu.memory_space<semaphore_mem>>)
        %dma_wait3A = arith.constant 0 : i32
        %dma_wait3A_40 = tpu.memref_slice %arg7[%mul3A_35, %dma_wait3A] : memref<10240x128xf32, #tpu.memory_space<hbm>> -> memref<640x128xf32, #tpu.memory_space<hbm>>
        %dma_wait3A_41 = arith.constant 0 : i32
        %dma_wait3A_42 = tpu.memref_slice %arg14[%mul3A_33, %dma_wait3A_41] : memref<10240x128xf32, #tpu.memory_space<vmem_shared>> -> memref<640x128xf32, #tpu.memory_space<vmem_shared>>
        tpu.wait_dma2 semaphore(%run_scoped3A : memref<!tpu.dma_semaphore, #tpu.memory_space<semaphore_mem>>) src(%dma_wait3A_42 : memref<640x128xf32, #tpu.memory_space<vmem_shared>>) dst(%dma_wait3A_40 : memref<640x128xf32, #tpu.memory_space<hbm>>)
        tpu.yield
      }) : () -> ()
    } else {
    }
    %eq3A_27 = arith.constant 1 : i32
    %eq3A_28 = arith.cmpi eq, %arg0, %eq3A_27 : i32
    %convert_element_type3A_29 = arith.extui %eq3A_28 : i1 to i32
    %cond3A_30 = arith.constant 0 : i32
    %cond3A_31 = arith.cmpi ne, %convert_element_type3A_29, %cond3A_30 : i32
    scf.if %cond3A_31 {
      %mul3A_32 = arith.constant 640 : i32
      %mul3A_33 = arith.muli %arg1, %mul3A_32 : i32
      %mul3A_34 = arith.constant 640 : i32
      %mul3A_35 = arith.muli %arg1, %mul3A_34 : i32
      "tpu.region"() ({
        %run_scoped3A = tpu.sem_alloc : memref<!tpu.dma_semaphore, #tpu.memory_space<semaphore_mem>>
        %dma_start3A_36 = arith.constant 0 : i32
        %dma_start3A_37 = tpu.memref_slice %arg8[%mul3A_35, %dma_start3A_36] : memref<10240x128xf32, #tpu.memory_space<hbm>> -> memref<640x128xf32, #tpu.memory_space<hbm>>
        %dma_start3A_38 = arith.constant 0 : i32
        %dma_start3A_39 = tpu.memref_slice %arg14[%mul3A_33, %dma_start3A_38] : memref<10240x128xf32, #tpu.memory_space<vmem_shared>> -> memref<640x128xf32, #tpu.memory_space<vmem_shared>>
        tpu.enqueue_dma source(%dma_start3A_39 : memref<640x128xf32, #tpu.memory_space<vmem_shared>>) target(%dma_start3A_37 : memref<640x128xf32, #tpu.memory_space<hbm>>) target_semaphore(%run_scoped3A : memref<!tpu.dma_semaphore, #tpu.memory_space<semaphore_mem>>)
        %dma_wait3A = arith.constant 0 : i32
        %dma_wait3A_40 = tpu.memref_slice %arg8[%mul3A_35, %dma_wait3A] : memref<10240x128xf32, #tpu.memory_space<hbm>> -> memref<640x128xf32, #tpu.memory_space<hbm>>
        %dma_wait3A_41 = arith.constant 0 : i32
        %dma_wait3A_42 = tpu.memref_slice %arg14[%mul3A_33, %dma_wait3A_41] : memref<10240x128xf32, #tpu.memory_space<vmem_shared>> -> memref<640x128xf32, #tpu.memory_space<vmem_shared>>
        tpu.wait_dma2 semaphore(%run_scoped3A : memref<!tpu.dma_semaphore, #tpu.memory_space<semaphore_mem>>) src(%dma_wait3A_42 : memref<640x128xf32, #tpu.memory_space<vmem_shared>>) dst(%dma_wait3A_40 : memref<640x128xf32, #tpu.memory_space<hbm>>)
        tpu.yield
      }) : () -> ()
    } else {
    }
    return
  }
}

#map = affine_map<(d0, d1) -> (0, 0)>
#map1 = affine_map<(d0, d1) -> (0)>
module attributes {stable_mosaic.version = 14 : i64} {
  func.func @_deg_body(%arg0: i32, %arg1: i32, %arg2: memref<1280x128xi32, #tpu.memory_space<hbm>>, %arg3: memref<1280x128xf32, #tpu.memory_space<hbm>>, %arg4: memref<10240xf32, #tpu.memory_space<hbm>>, %arg5: memref<10240xf32, #tpu.memory_space<hbm>>, %arg6: memref<40x128xi32, #tpu.memory_space<vmem>>, %arg7: memref<40x128xf32, #tpu.memory_space<vmem>>, %arg8: memref<10240xf32, #tpu.memory_space<vmem>>, %arg9: memref<16x640xf32, #tpu.memory_space<vmem>>, %arg10: memref<640xf32, #tpu.memory_space<vmem>>, %arg11: memref<16x10240xf32, #tpu.memory_space<vmem_shared>>) attributes {dimension_semantics = [#tpu.dimension_semantics<core_parallel>, #tpu.dimension_semantics<subcore_parallel>], iteration_bounds = array<i64: 2, 16>, scalar_prefetch = 0 : i64, scratch_operands = 6 : i64, tpu.core_type = #tpu.core_type<sc_vector_subcore>, window_params = [{transform_indices = #map}, {transform_indices = #map}, {transform_indices = #map1}, {transform_indices = #map1}]} {
    %mul3A = arith.constant 16 : i32
    %mul3A_0 = arith.muli %arg0, %mul3A : i32
    %add3A = arith.addi %mul3A_0, %arg1 : i32
    %scan3A = arith.constant 0 : i32
    %scan3A_1 = arith.constant 640 : i32
    %scan3A_2 = arith.addi %scan3A, %scan3A_1 : i32
    %scan3A_3 = arith.constant 1 : i32
    scf.for %scan3A_28 = %scan3A to %scan3A_2 step %scan3A_3  : i32 {
      %mul3A_29 = arith.constant 16 : i32
      %mul3A_30 = arith.muli %scan3A_28, %mul3A_29 : i32
      %add3A_31 = arith.constant 0 : i32
      %add3A_32 = arith.addi %add3A_31, %mul3A_30 : i32
      %broadcast_in_dim3A = arith.constant 0.000000e+00 : f32
      %broadcast_in_dim3A_33 = vector.broadcast %broadcast_in_dim3A : f32 to vector<16xf32>
      %swap3A = arith.index_cast %add3A_32 : i32 to index
      %swap3A_34 = tpu.vector_load %arg8[%swap3A] {strides = array<i32>} : memref<10240xf32, #tpu.memory_space<vmem>>, vector<16xf32>,
      tpu.vector_store %arg8[%swap3A], %broadcast_in_dim3A_33 {strides = array<i32>} : memref<10240xf32, #tpu.memory_space<vmem>>, vector<16xf32>,
    }
    %scan3A_4 = arith.constant 640 : i32
    %mul3A_5 = arith.constant 40 : i32
    %mul3A_6 = arith.muli %add3A, %mul3A_5 : i32
    "tpu.region"() ({
      %run_scoped3A = tpu.sem_alloc : memref<!tpu.dma_semaphore, #tpu.memory_space<semaphore_mem>>
      %dma_start3A = arith.constant 0 : i32
      %dma_start3A_28 = tpu.memref_slice %arg2[%mul3A_6, %dma_start3A] : memref<1280x128xi32, #tpu.memory_space<hbm>> -> memref<40x128xi32, #tpu.memory_space<hbm>>
      %dma_start3A_29 = arith.constant 0 : i32
      %dma_start3A_30 = tpu.memref_slice %arg2[%mul3A_6, %dma_start3A_29] : memref<1280x128xi32, #tpu.memory_space<hbm>> -> memref<40x128xi32, #tpu.memory_space<hbm>>
      tpu.enqueue_dma source(%dma_start3A_30 : memref<40x128xi32, #tpu.memory_space<hbm>>) target(%arg6 : memref<40x128xi32, #tpu.memory_space<vmem>>) target_semaphore(%run_scoped3A : memref<!tpu.dma_semaphore, #tpu.memory_space<semaphore_mem>>)
      %dma_wait3A = arith.constant 0 : i32
      %dma_wait3A_31 = tpu.memref_slice %arg2[%mul3A_6, %dma_wait3A] : memref<1280x128xi32, #tpu.memory_space<hbm>> -> memref<40x128xi32, #tpu.memory_space<hbm>>
      %dma_wait3A_32 = arith.constant 0 : i32
      %dma_wait3A_33 = tpu.memref_slice %arg2[%mul3A_6, %dma_wait3A_32] : memref<1280x128xi32, #tpu.memory_space<hbm>> -> memref<40x128xi32, #tpu.memory_space<hbm>>
      tpu.wait_dma2 semaphore(%run_scoped3A : memref<!tpu.dma_semaphore, #tpu.memory_space<semaphore_mem>>) src(%dma_wait3A_33 : memref<40x128xi32, #tpu.memory_space<hbm>>) dst(%arg6 : memref<40x128xi32, #tpu.memory_space<vmem>>)
      tpu.yield
    }) : () -> ()
    %mul3A_7 = arith.constant 40 : i32
    %mul3A_8 = arith.muli %add3A, %mul3A_7 : i32
    "tpu.region"() ({
      %run_scoped3A = tpu.sem_alloc : memref<!tpu.dma_semaphore, #tpu.memory_space<semaphore_mem>>
      %dma_start3A = arith.constant 0 : i32
      %dma_start3A_28 = tpu.memref_slice %arg3[%mul3A_8, %dma_start3A] : memref<1280x128xf32, #tpu.memory_space<hbm>> -> memref<40x128xf32, #tpu.memory_space<hbm>>
      %dma_start3A_29 = arith.constant 0 : i32
      %dma_start3A_30 = tpu.memref_slice %arg3[%mul3A_8, %dma_start3A_29] : memref<1280x128xf32, #tpu.memory_space<hbm>> -> memref<40x128xf32, #tpu.memory_space<hbm>>
      tpu.enqueue_dma source(%dma_start3A_30 : memref<40x128xf32, #tpu.memory_space<hbm>>) target(%arg7 : memref<40x128xf32, #tpu.memory_space<vmem>>) target_semaphore(%run_scoped3A : memref<!tpu.dma_semaphore, #tpu.memory_space<semaphore_mem>>)
      %dma_wait3A = arith.constant 0 : i32
      %dma_wait3A_31 = tpu.memref_slice %arg3[%mul3A_8, %dma_wait3A] : memref<1280x128xf32, #tpu.memory_space<hbm>> -> memref<40x128xf32, #tpu.memory_space<hbm>>
      %dma_wait3A_32 = arith.constant 0 : i32
      %dma_wait3A_33 = tpu.memref_slice %arg3[%mul3A_8, %dma_wait3A_32] : memref<1280x128xf32, #tpu.memory_space<hbm>> -> memref<40x128xf32, #tpu.memory_space<hbm>>
      tpu.wait_dma2 semaphore(%run_scoped3A : memref<!tpu.dma_semaphore, #tpu.memory_space<semaphore_mem>>) src(%dma_wait3A_33 : memref<40x128xf32, #tpu.memory_space<hbm>>) dst(%arg7 : memref<40x128xf32, #tpu.memory_space<vmem>>)
      tpu.yield
    }) : () -> ()
    %scan3A_9 = arith.constant 0 : i32
    %scan3A_10 = arith.constant 40 : i32
    %scan3A_11 = arith.addi %scan3A_9, %scan3A_10 : i32
    %scan3A_12 = arith.constant 1 : i32
    scf.for %scan3A_28 = %scan3A_9 to %scan3A_11 step %scan3A_12  : i32 {
      %mul3A_29 = arith.constant 1 : i32
      %mul3A_30 = arith.muli %scan3A_28, %mul3A_29 : i32
      %add3A_31 = arith.constant 0 : i32
      %add3A_32 = arith.addi %add3A_31, %mul3A_30 : i32
      %get3A = arith.index_cast %add3A_32 : i32 to index
      %get3A_33 = arith.constant 0 : index
      %get3A_34 = tpu.vector_load %arg6[%get3A, %get3A_33] {strides = array<i32>} : memref<40x128xi32, #tpu.memory_space<vmem>>, vector<16xi32>,
      %get3A_35 = arith.index_cast %add3A_32 : i32 to index
      %get3A_36 = arith.constant 0 : index
      %get3A_37 = tpu.vector_load %arg7[%get3A_35, %get3A_36] {strides = array<i32>} : memref<40x128xf32, #tpu.memory_space<vmem>>, vector<16xf32>,
      tpu.vector_store_idx %arg8[%get3A_34], %get3A_37 {add = true} : memref<10240xf32, #tpu.memory_space<vmem>>[vector<16xi32>], vector<16xf32>,
      %get3A_38 = arith.index_cast %add3A_32 : i32 to index
      %get3A_39 = arith.constant 16 : index
      %get3A_40 = tpu.vector_load %arg6[%get3A_38, %get3A_39] {strides = array<i32>} : memref<40x128xi32, #tpu.memory_space<vmem>>, vector<16xi32>,
      %get3A_41 = arith.index_cast %add3A_32 : i32 to index
      %get3A_42 = arith.constant 16 : index
      %get3A_43 = tpu.vector_load %arg7[%get3A_41, %get3A_42] {strides = array<i32>} : memref<40x128xf32, #tpu.memory_space<vmem>>, vector<16xf32>,
      tpu.vector_store_idx %arg8[%get3A_40], %get3A_43 {add = true} : memref<10240xf32, #tpu.memory_space<vmem>>[vector<16xi32>], vector<16xf32>,
      %get3A_44 = arith.index_cast %add3A_32 : i32 to index
      %get3A_45 = arith.constant 32 : index
      %get3A_46 = tpu.vector_load %arg6[%get3A_44, %get3A_45] {strides = array<i32>} : memref<40x128xi32, #tpu.memory_space<vmem>>, vector<16xi32>,
      %get3A_47 = arith.index_cast %add3A_32 : i32 to index
      %get3A_48 = arith.constant 32 : index
      %get3A_49 = tpu.vector_load %arg7[%get3A_47, %get3A_48] {strides = array<i32>} : memref<40x128xf32, #tpu.memory_space<vmem>>, vector<16xf32>,
      tpu.vector_store_idx %arg8[%get3A_46], %get3A_49 {add = true} : memref<10240xf32, #tpu.memory_space<vmem>>[vector<16xi32>], vector<16xf32>,
      %get3A_50 = arith.index_cast %add3A_32 : i32 to index
      %get3A_51 = arith.constant 48 : index
      %get3A_52 = tpu.vector_load %arg6[%get3A_50, %get3A_51] {strides = array<i32>} : memref<40x128xi32, #tpu.memory_space<vmem>>, vector<16xi32>,
      %get3A_53 = arith.index_cast %add3A_32 : i32 to index
      %get3A_54 = arith.constant 48 : index
      %get3A_55 = tpu.vector_load %arg7[%get3A_53, %get3A_54] {strides = array<i32>} : memref<40x128xf32, #tpu.memory_space<vmem>>, vector<16xf32>,
      tpu.vector_store_idx %arg8[%get3A_52], %get3A_55 {add = true} : memref<10240xf32, #tpu.memory_space<vmem>>[vector<16xi32>], vector<16xf32>,
      %get3A_56 = arith.index_cast %add3A_32 : i32 to index
      %get3A_57 = arith.constant 64 : index
      %get3A_58 = tpu.vector_load %arg6[%get3A_56, %get3A_57] {strides = array<i32>} : memref<40x128xi32, #tpu.memory_space<vmem>>, vector<16xi32>,
      %get3A_59 = arith.index_cast %add3A_32 : i32 to index
      %get3A_60 = arith.constant 64 : index
      %get3A_61 = tpu.vector_load %arg7[%get3A_59, %get3A_60] {strides = array<i32>} : memref<40x128xf32, #tpu.memory_space<vmem>>, vector<16xf32>,
      tpu.vector_store_idx %arg8[%get3A_58], %get3A_61 {add = true} : memref<10240xf32, #tpu.memory_space<vmem>>[vector<16xi32>], vector<16xf32>,
      %get3A_62 = arith.index_cast %add3A_32 : i32 to index
      %get3A_63 = arith.constant 80 : index
      %get3A_64 = tpu.vector_load %arg6[%get3A_62, %get3A_63] {strides = array<i32>} : memref<40x128xi32, #tpu.memory_space<vmem>>, vector<16xi32>,
      %get3A_65 = arith.index_cast %add3A_32 : i32 to index
      %get3A_66 = arith.constant 80 : index
      %get3A_67 = tpu.vector_load %arg7[%get3A_65, %get3A_66] {strides = array<i32>} : memref<40x128xf32, #tpu.memory_space<vmem>>, vector<16xf32>,
      tpu.vector_store_idx %arg8[%get3A_64], %get3A_67 {add = true} : memref<10240xf32, #tpu.memory_space<vmem>>[vector<16xi32>], vector<16xf32>,
      %get3A_68 = arith.index_cast %add3A_32 : i32 to index
      %get3A_69 = arith.constant 96 : index
      %get3A_70 = tpu.vector_load %arg6[%get3A_68, %get3A_69] {strides = array<i32>} : memref<40x128xi32, #tpu.memory_space<vmem>>, vector<16xi32>,
      %get3A_71 = arith.index_cast %add3A_32 : i32 to index
      %get3A_72 = arith.constant 96 : index
      %get3A_73 = tpu.vector_load %arg7[%get3A_71, %get3A_72] {strides = array<i32>} : memref<40x128xf32, #tpu.memory_space<vmem>>, vector<16xf32>,
      tpu.vector_store_idx %arg8[%get3A_70], %get3A_73 {add = true} : memref<10240xf32, #tpu.memory_space<vmem>>[vector<16xi32>], vector<16xf32>,
      %get3A_74 = arith.index_cast %add3A_32 : i32 to index
      %get3A_75 = arith.constant 112 : index
      %get3A_76 = tpu.vector_load %arg6[%get3A_74, %get3A_75] {strides = array<i32>} : memref<40x128xi32, #tpu.memory_space<vmem>>, vector<16xi32>,
      %get3A_77 = arith.index_cast %add3A_32 : i32 to index
      %get3A_78 = arith.constant 112 : index
      %get3A_79 = tpu.vector_load %arg7[%get3A_77, %get3A_78] {strides = array<i32>} : memref<40x128xf32, #tpu.memory_space<vmem>>, vector<16xf32>,
      tpu.vector_store_idx %arg8[%get3A_76], %get3A_79 {add = true} : memref<10240xf32, #tpu.memory_space<vmem>>[vector<16xi32>], vector<16xf32>,
    }
    %scan3A_13 = arith.constant 40 : i32
    "tpu.region"() ({
      %run_scoped3A = tpu.sem_alloc : memref<!tpu.dma_semaphore, #tpu.memory_space<semaphore_mem>>
      %dma_start3A = arith.constant 0 : i32
      %dma_start3A_28 = tpu.memref_slice %arg11[%arg1, %dma_start3A] : memref<16x10240xf32, #tpu.memory_space<vmem_shared>> -> memref<1x10240xf32, #tpu.memory_space<vmem_shared>>
      %dma_start3A_29 = tpu.memref_squeeze %dma_start3A_28 : memref<1x10240xf32, #tpu.memory_space<vmem_shared>> -> memref<10240xf32, #tpu.memory_space<vmem_shared>>
      %dma_start3A_30 = arith.constant 0 : i32
      %dma_start3A_31 = tpu.memref_slice %arg11[%arg1, %dma_start3A_30] : memref<16x10240xf32, #tpu.memory_space<vmem_shared>> -> memref<1x10240xf32, #tpu.memory_space<vmem_shared>>
      %dma_start3A_32 = tpu.memref_squeeze %dma_start3A_31 : memref<1x10240xf32, #tpu.memory_space<vmem_shared>> -> memref<10240xf32, #tpu.memory_space<vmem_shared>>
      tpu.enqueue_dma source(%arg8 : memref<10240xf32, #tpu.memory_space<vmem>>) target(%dma_start3A_32 : memref<10240xf32, #tpu.memory_space<vmem_shared>>) target_semaphore(%run_scoped3A : memref<!tpu.dma_semaphore, #tpu.memory_space<semaphore_mem>>)
      %dma_wait3A = arith.constant 0 : i32
      %dma_wait3A_33 = tpu.memref_slice %arg11[%arg1, %dma_wait3A] : memref<16x10240xf32, #tpu.memory_space<vmem_shared>> -> memref<1x10240xf32, #tpu.memory_space<vmem_shared>>
      %dma_wait3A_34 = tpu.memref_squeeze %dma_wait3A_33 : memref<1x10240xf32, #tpu.memory_space<vmem_shared>> -> memref<10240xf32, #tpu.memory_space<vmem_shared>>
      %dma_wait3A_35 = arith.constant 0 : i32
      %dma_wait3A_36 = tpu.memref_slice %arg11[%arg1, %dma_wait3A_35] : memref<16x10240xf32, #tpu.memory_space<vmem_shared>> -> memref<1x10240xf32, #tpu.memory_space<vmem_shared>>
      %dma_wait3A_37 = tpu.memref_squeeze %dma_wait3A_36 : memref<1x10240xf32, #tpu.memory_space<vmem_shared>> -> memref<10240xf32, #tpu.memory_space<vmem_shared>>
      tpu.wait_dma2 semaphore(%run_scoped3A : memref<!tpu.dma_semaphore, #tpu.memory_space<semaphore_mem>>) src(%arg8 : memref<10240xf32, #tpu.memory_space<vmem>>) dst(%dma_wait3A_37 : memref<10240xf32, #tpu.memory_space<vmem_shared>>)
      tpu.yield
    }) : () -> ()
    %barrier3A = arith.constant 0 : index
    tpu.barrier barrier_id(%barrier3A)
    %mul3A_14 = arith.constant 640 : i32
    %mul3A_15 = arith.muli %arg1, %mul3A_14 : i32
    "tpu.region"() ({
      %run_scoped3A = tpu.sem_alloc : memref<!tpu.dma_semaphore, #tpu.memory_space<semaphore_mem>>
      %dma_start3A = arith.constant 0 : i32
      %dma_start3A_28 = tpu.memref_slice %arg11[%dma_start3A, %mul3A_15] : memref<16x10240xf32, #tpu.memory_space<vmem_shared>> -> memref<16x640xf32, #tpu.memory_space<vmem_shared>>
      %dma_start3A_29 = arith.constant 0 : i32
      %dma_start3A_30 = tpu.memref_slice %arg11[%dma_start3A_29, %mul3A_15] : memref<16x10240xf32, #tpu.memory_space<vmem_shared>> -> memref<16x640xf32, #tpu.memory_space<vmem_shared>>
      tpu.enqueue_dma source(%dma_start3A_30 : memref<16x640xf32, #tpu.memory_space<vmem_shared>>) target(%arg9 : memref<16x640xf32, #tpu.memory_space<vmem>>) target_semaphore(%run_scoped3A : memref<!tpu.dma_semaphore, #tpu.memory_space<semaphore_mem>>)
      %dma_wait3A = arith.constant 0 : i32
      %dma_wait3A_31 = tpu.memref_slice %arg11[%dma_wait3A, %mul3A_15] : memref<16x10240xf32, #tpu.memory_space<vmem_shared>> -> memref<16x640xf32, #tpu.memory_space<vmem_shared>>
      %dma_wait3A_32 = arith.constant 0 : i32
      %dma_wait3A_33 = tpu.memref_slice %arg11[%dma_wait3A_32, %mul3A_15] : memref<16x10240xf32, #tpu.memory_space<vmem_shared>> -> memref<16x640xf32, #tpu.memory_space<vmem_shared>>
      tpu.wait_dma2 semaphore(%run_scoped3A : memref<!tpu.dma_semaphore, #tpu.memory_space<semaphore_mem>>) src(%dma_wait3A_33 : memref<16x640xf32, #tpu.memory_space<vmem_shared>>) dst(%arg9 : memref<16x640xf32, #tpu.memory_space<vmem>>)
      tpu.yield
    }) : () -> ()
    %scan3A_16 = arith.constant 0 : i32
    %scan3A_17 = arith.constant 40 : i32
    %scan3A_18 = arith.addi %scan3A_16, %scan3A_17 : i32
    %scan3A_19 = arith.constant 1 : i32
    scf.for %scan3A_28 = %scan3A_16 to %scan3A_18 step %scan3A_19  : i32 {
      %mul3A_29 = arith.constant 16 : i32
      %mul3A_30 = arith.muli %scan3A_28, %mul3A_29 : i32
      %add3A_31 = arith.constant 0 : i32
      %add3A_32 = arith.addi %add3A_31, %mul3A_30 : i32
      %get3A = arith.constant 0 : i32
      %get3A_33 = arith.index_cast %get3A : i32 to index
      %get3A_34 = arith.index_cast %add3A_32 : i32 to index
      %get3A_35 = tpu.vector_load %arg9[%get3A_33, %get3A_34] {strides = array<i32>} : memref<16x640xf32, #tpu.memory_space<vmem>>, vector<16xf32>,
      %get3A_36 = arith.constant 1 : i32
      %get3A_37 = arith.index_cast %get3A_36 : i32 to index
      %get3A_38 = arith.index_cast %add3A_32 : i32 to index
      %get3A_39 = tpu.vector_load %arg9[%get3A_37, %get3A_38] {strides = array<i32>} : memref<16x640xf32, #tpu.memory_space<vmem>>, vector<16xf32>,
      %add3A_40 = arith.addf %get3A_35, %get3A_39 : vector<16xf32>
      %get3A_41 = arith.constant 2 : i32
      %get3A_42 = arith.index_cast %get3A_41 : i32 to index
      %get3A_43 = arith.index_cast %add3A_32 : i32 to index
      %get3A_44 = tpu.vector_load %arg9[%get3A_42, %get3A_43] {strides = array<i32>} : memref<16x640xf32, #tpu.memory_space<vmem>>, vector<16xf32>,
      %add3A_45 = arith.addf %add3A_40, %get3A_44 : vector<16xf32>
      %get3A_46 = arith.constant 3 : i32
      %get3A_47 = arith.index_cast %get3A_46 : i32 to index
      %get3A_48 = arith.index_cast %add3A_32 : i32 to index
      %get3A_49 = tpu.vector_load %arg9[%get3A_47, %get3A_48] {strides = array<i32>} : memref<16x640xf32, #tpu.memory_space<vmem>>, vector<16xf32>,
      %add3A_50 = arith.addf %add3A_45, %get3A_49 : vector<16xf32>
      %get3A_51 = arith.constant 4 : i32
      %get3A_52 = arith.index_cast %get3A_51 : i32 to index
      %get3A_53 = arith.index_cast %add3A_32 : i32 to index
      %get3A_54 = tpu.vector_load %arg9[%get3A_52, %get3A_53] {strides = array<i32>} : memref<16x640xf32, #tpu.memory_space<vmem>>, vector<16xf32>,
      %add3A_55 = arith.addf %add3A_50, %get3A_54 : vector<16xf32>
      %get3A_56 = arith.constant 5 : i32
      %get3A_57 = arith.index_cast %get3A_56 : i32 to index
      %get3A_58 = arith.index_cast %add3A_32 : i32 to index
      %get3A_59 = tpu.vector_load %arg9[%get3A_57, %get3A_58] {strides = array<i32>} : memref<16x640xf32, #tpu.memory_space<vmem>>, vector<16xf32>,
      %add3A_60 = arith.addf %add3A_55, %get3A_59 : vector<16xf32>
      %get3A_61 = arith.constant 6 : i32
      %get3A_62 = arith.index_cast %get3A_61 : i32 to index
      %get3A_63 = arith.index_cast %add3A_32 : i32 to index
      %get3A_64 = tpu.vector_load %arg9[%get3A_62, %get3A_63] {strides = array<i32>} : memref<16x640xf32, #tpu.memory_space<vmem>>, vector<16xf32>,
      %add3A_65 = arith.addf %add3A_60, %get3A_64 : vector<16xf32>
      %get3A_66 = arith.constant 7 : i32
      %get3A_67 = arith.index_cast %get3A_66 : i32 to index
      %get3A_68 = arith.index_cast %add3A_32 : i32 to index
      %get3A_69 = tpu.vector_load %arg9[%get3A_67, %get3A_68] {strides = array<i32>} : memref<16x640xf32, #tpu.memory_space<vmem>>, vector<16xf32>,
      %add3A_70 = arith.addf %add3A_65, %get3A_69 : vector<16xf32>
      %get3A_71 = arith.constant 8 : i32
      %get3A_72 = arith.index_cast %get3A_71 : i32 to index
      %get3A_73 = arith.index_cast %add3A_32 : i32 to index
      %get3A_74 = tpu.vector_load %arg9[%get3A_72, %get3A_73] {strides = array<i32>} : memref<16x640xf32, #tpu.memory_space<vmem>>, vector<16xf32>,
      %add3A_75 = arith.addf %add3A_70, %get3A_74 : vector<16xf32>
      %get3A_76 = arith.constant 9 : i32
      %get3A_77 = arith.index_cast %get3A_76 : i32 to index
      %get3A_78 = arith.index_cast %add3A_32 : i32 to index
      %get3A_79 = tpu.vector_load %arg9[%get3A_77, %get3A_78] {strides = array<i32>} : memref<16x640xf32, #tpu.memory_space<vmem>>, vector<16xf32>,
      %add3A_80 = arith.addf %add3A_75, %get3A_79 : vector<16xf32>
      %get3A_81 = arith.constant 10 : i32
      %get3A_82 = arith.index_cast %get3A_81 : i32 to index
      %get3A_83 = arith.index_cast %add3A_32 : i32 to index
      %get3A_84 = tpu.vector_load %arg9[%get3A_82, %get3A_83] {strides = array<i32>} : memref<16x640xf32, #tpu.memory_space<vmem>>, vector<16xf32>,
      %add3A_85 = arith.addf %add3A_80, %get3A_84 : vector<16xf32>
      %get3A_86 = arith.constant 11 : i32
      %get3A_87 = arith.index_cast %get3A_86 : i32 to index
      %get3A_88 = arith.index_cast %add3A_32 : i32 to index
      %get3A_89 = tpu.vector_load %arg9[%get3A_87, %get3A_88] {strides = array<i32>} : memref<16x640xf32, #tpu.memory_space<vmem>>, vector<16xf32>,
      %add3A_90 = arith.addf %add3A_85, %get3A_89 : vector<16xf32>
      %get3A_91 = arith.constant 12 : i32
      %get3A_92 = arith.index_cast %get3A_91 : i32 to index
      %get3A_93 = arith.index_cast %add3A_32 : i32 to index
      %get3A_94 = tpu.vector_load %arg9[%get3A_92, %get3A_93] {strides = array<i32>} : memref<16x640xf32, #tpu.memory_space<vmem>>, vector<16xf32>,
      %add3A_95 = arith.addf %add3A_90, %get3A_94 : vector<16xf32>
      %get3A_96 = arith.constant 13 : i32
      %get3A_97 = arith.index_cast %get3A_96 : i32 to index
      %get3A_98 = arith.index_cast %add3A_32 : i32 to index
      %get3A_99 = tpu.vector_load %arg9[%get3A_97, %get3A_98] {strides = array<i32>} : memref<16x640xf32, #tpu.memory_space<vmem>>, vector<16xf32>,
      %add3A_100 = arith.addf %add3A_95, %get3A_99 : vector<16xf32>
      %get3A_101 = arith.constant 14 : i32
      %get3A_102 = arith.index_cast %get3A_101 : i32 to index
      %get3A_103 = arith.index_cast %add3A_32 : i32 to index
      %get3A_104 = tpu.vector_load %arg9[%get3A_102, %get3A_103] {strides = array<i32>} : memref<16x640xf32, #tpu.memory_space<vmem>>, vector<16xf32>,
      %add3A_105 = arith.addf %add3A_100, %get3A_104 : vector<16xf32>
      %get3A_106 = arith.constant 15 : i32
      %get3A_107 = arith.index_cast %get3A_106 : i32 to index
      %get3A_108 = arith.index_cast %add3A_32 : i32 to index
      %get3A_109 = tpu.vector_load %arg9[%get3A_107, %get3A_108] {strides = array<i32>} : memref<16x640xf32, #tpu.memory_space<vmem>>, vector<16xf32>,
      %add3A_110 = arith.addf %add3A_105, %get3A_109 : vector<16xf32>
      %swap3A = arith.index_cast %add3A_32 : i32 to index
      %swap3A_111 = tpu.vector_load %arg10[%swap3A] {strides = array<i32>} : memref<640xf32, #tpu.memory_space<vmem>>, vector<16xf32>,
      tpu.vector_store %arg10[%swap3A], %add3A_110 {strides = array<i32>} : memref<640xf32, #tpu.memory_space<vmem>>, vector<16xf32>,
    }
    %scan3A_20 = arith.constant 40 : i32
    %eq3A = arith.constant 0 : i32
    %eq3A_21 = arith.cmpi eq, %arg0, %eq3A : i32
    %convert_element_type3A = arith.extui %eq3A_21 : i1 to i32
    %cond3A = arith.constant 0 : i32
    %cond3A_22 = arith.cmpi ne, %convert_element_type3A, %cond3A : i32
    scf.if %cond3A_22 {
      %mul3A_28 = arith.constant 640 : i32
      %mul3A_29 = arith.muli %arg1, %mul3A_28 : i32
      "tpu.region"() ({
        %run_scoped3A = tpu.sem_alloc : memref<!tpu.dma_semaphore, #tpu.memory_space<semaphore_mem>>
        %dma_start3A = tpu.memref_slice %arg4[%mul3A_29] : memref<10240xf32, #tpu.memory_space<hbm>> -> memref<640xf32, #tpu.memory_space<hbm>>
        %dma_start3A_30 = tpu.memref_slice %arg4[%mul3A_29] : memref<10240xf32, #tpu.memory_space<hbm>> -> memref<640xf32, #tpu.memory_space<hbm>>
        tpu.enqueue_dma source(%arg10 : memref<640xf32, #tpu.memory_space<vmem>>) target(%dma_start3A_30 : memref<640xf32, #tpu.memory_space<hbm>>) target_semaphore(%run_scoped3A : memref<!tpu.dma_semaphore, #tpu.memory_space<semaphore_mem>>)
        %dma_wait3A = tpu.memref_slice %arg4[%mul3A_29] : memref<10240xf32, #tpu.memory_space<hbm>> -> memref<640xf32, #tpu.memory_space<hbm>>
        %dma_wait3A_31 = tpu.memref_slice %arg4[%mul3A_29] : memref<10240xf32, #tpu.memory_space<hbm>> -> memref<640xf32, #tpu.memory_space<hbm>>
        tpu.wait_dma2 semaphore(%run_scoped3A : memref<!tpu.dma_semaphore, #tpu.memory_space<semaphore_mem>>) src(%arg10 : memref<640xf32, #tpu.memory_space<vmem>>) dst(%dma_wait3A_31 : memref<640xf32, #tpu.memory_space<hbm>>)
        tpu.yield
      }) : () -> ()
    } else {
    }
    %eq3A_23 = arith.constant 1 : i32
    %eq3A_24 = arith.cmpi eq, %arg0, %eq3A_23 : i32
    %convert_element_type3A_25 = arith.extui %eq3A_24 : i1 to i32
    %cond3A_26 = arith.constant 0 : i32
    %cond3A_27 = arith.cmpi ne, %convert_element_type3A_25, %cond3A_26 : i32
    scf.if %cond3A_27 {
      %mul3A_28 = arith.constant 640 : i32
      %mul3A_29 = arith.muli %arg1, %mul3A_28 : i32
      "tpu.region"() ({
        %run_scoped3A = tpu.sem_alloc : memref<!tpu.dma_semaphore, #tpu.memory_space<semaphore_mem>>
        %dma_start3A = tpu.memref_slice %arg5[%mul3A_29] : memref<10240xf32, #tpu.memory_space<hbm>> -> memref<640xf32, #tpu.memory_space<hbm>>
        %dma_start3A_30 = tpu.memref_slice %arg5[%mul3A_29] : memref<10240xf32, #tpu.memory_space<hbm>> -> memref<640xf32, #tpu.memory_space<hbm>>
        tpu.enqueue_dma source(%arg10 : memref<640xf32, #tpu.memory_space<vmem>>) target(%dma_start3A_30 : memref<640xf32, #tpu.memory_space<hbm>>) target_semaphore(%run_scoped3A : memref<!tpu.dma_semaphore, #tpu.memory_space<semaphore_mem>>)
        %dma_wait3A = tpu.memref_slice %arg5[%mul3A_29] : memref<10240xf32, #tpu.memory_space<hbm>> -> memref<640xf32, #tpu.memory_space<hbm>>
        %dma_wait3A_31 = tpu.memref_slice %arg5[%mul3A_29] : memref<10240xf32, #tpu.memory_space<hbm>> -> memref<640xf32, #tpu.memory_space<hbm>>
        tpu.wait_dma2 semaphore(%run_scoped3A : memref<!tpu.dma_semaphore, #tpu.memory_space<semaphore_mem>>) src(%arg10 : memref<640xf32, #tpu.memory_space<vmem>>) dst(%dma_wait3A_31 : memref<640xf32, #tpu.memory_space<hbm>>)
        tpu.yield
      }) : () -> ()
    } else {
    }
    return
  }
}

module attributes {stable_mosaic.version = 14 : i64} {
  func.func @_mm1_body(%arg0: i32, %arg1: i32, %arg2: memref<1000x256xf32, #tpu.memory_space<vmem>>, %arg3: memref<256x128xf32, #tpu.memory_space<vmem>>, %arg4: memref<1000x1xf32, #tpu.memory_space<vmem>>, %arg5: memref<1000x1xf32, #tpu.memory_space<vmem>>, %arg6: memref<1x1000x128xf32, #tpu.memory_space<vmem>>) attributes {dimension_semantics = [#tpu.dimension_semantics<arbitrary>, #tpu.dimension_semantics<arbitrary>], iteration_bounds = array<i64: 10, 2>, scalar_prefetch = 0 : i64, scratch_operands = 0 : i64, tpu.core_type = #tpu.core_type<tc>, window_params = [{transform_indices = @transform_0, window_bounds = array<i64: 1000, 256>}, {transform_indices = @transform_1, window_bounds = array<i64: 256, 128>}, {transform_indices = @transform_2, window_bounds = array<i64: 1000, 1>}, {transform_indices = @transform_3, window_bounds = array<i64: 1000, 1>}, {transform_indices = @transform_4, window_bounds = array<i64: 1, 1000, 128>}]} {
    %get3A = arith.constant 0 : index
    %get3A_0 = arith.constant 0 : index
    %get3A_1 = vector.load %arg2[%get3A, %get3A_0] : memref<1000x256xf32, #tpu.memory_space<vmem>>, vector<1000x256xf32>
    %get3A_2 = arith.constant 0 : index
    %get3A_3 = arith.constant 0 : index
    %get3A_4 = vector.load %arg3[%get3A_2, %get3A_3] : memref<256x128xf32, #tpu.memory_space<vmem>>, vector<256x128xf32>
    %dot_general3A = arith.constant dense<0.000000e+00> : vector<1000x128xf32>
    %dot_general3A_5 = tpu.matmul %get3A_1, %get3A_4, %dot_general3A {dimension_numbers = #tpu.dot_dimension_numbers<[1], [0], [0], [1], [0, 0, 1, 1], [], []>, transpose_lhs_hint = false} : vector<1000x256xf32>, vector<256x128xf32>, vector<1000x128xf32> -> vector<1000x128xf32>
    %get3A_6 = arith.constant 0 : index
    %get3A_7 = arith.constant 0 : index
    %get3A_8 = vector.load %arg4[%get3A_6, %get3A_7] : memref<1000x1xf32, #tpu.memory_space<vmem>>, vector<1000x1xf32>
    %get3A_9 = arith.constant 0 : index
    %get3A_10 = arith.constant 0 : index
    %get3A_11 = vector.load %arg5[%get3A_9, %get3A_10] : memref<1000x1xf32, #tpu.memory_space<vmem>>, vector<1000x1xf32>
    %add3A = arith.addf %get3A_8, %get3A_11 : vector<1000x1xf32>
    %add3A_12 = arith.constant 1.000000e+00 : f32
    %add3A_13 = vector.broadcast %add3A_12 : f32 to vector<1000x1xf32>
    %add3A_14 = arith.addf %add3A, %add3A_13 : vector<1000x1xf32>
    %rsqrt3A = math.rsqrt %add3A_14 : vector<1000x1xf32>
    %mul3A = vector.broadcast %rsqrt3A : vector<1000x1xf32> to vector<1000x128xf32>
    %mul3A_15 = arith.mulf %dot_general3A_5, %mul3A : vector<1000x128xf32>
    %swap3A = arith.constant 0 : index
    %swap3A_16 = arith.constant 0 : index
    %swap3A_17 = arith.constant 0 : index
    %swap3A_18 = vector.load %arg6[%swap3A, %swap3A_16, %swap3A_17] : memref<1x1000x128xf32, #tpu.memory_space<vmem>>, vector<1x1000x128xf32>
    %swap3A_19 = vector.shape_cast %swap3A_18 : vector<1x1000x128xf32> to vector<1000x128xf32>
    %swap3A_20 = vector.shape_cast %mul3A_15 : vector<1000x128xf32> to vector<1x1000x128xf32>
    tpu.vector_store %arg6[%swap3A, %swap3A_16, %swap3A_17], %swap3A_20 {strides = array<i32>} : memref<1x1000x128xf32, #tpu.memory_space<vmem>>, vector<1x1000x128xf32>,
    return
  }
  func.func @transform_0(%arg0: i32, %arg1: i32) -> (i32, i32) {
    %c0_i32 = arith.constant 0 : i32
    %c0_i32_0 = arith.constant 0 : i32
    return %arg0, %c0_i32 : i32, i32
  }
  func.func @transform_1(%arg0: i32, %arg1: i32) -> (i32, i32) {
    %c0_i32 = arith.constant 0 : i32
    %c0_i32_0 = arith.constant 0 : i32
    return %c0_i32, %arg1 : i32, i32
  }
  func.func @transform_2(%arg0: i32, %arg1: i32) -> (i32, i32) {
    %c0_i32 = arith.constant 0 : i32
    %c0_i32_0 = arith.constant 0 : i32
    return %arg0, %c0_i32 : i32, i32
  }
  func.func @transform_3(%arg0: i32, %arg1: i32) -> (i32, i32) {
    %c0_i32 = arith.constant 0 : i32
    %c0_i32_0 = arith.constant 0 : i32
    return %arg0, %c0_i32 : i32, i32
  }
  func.func @transform_4(%arg0: i32, %arg1: i32) -> (i32, i32, i32) {
    %c0_i32 = arith.constant 0 : i32
    %c0_i32_0 = arith.constant 0 : i32
    return %arg1, %arg0, %c0_i32 : i32, i32, i32
  }
}

module attributes {stable_mosaic.version = 14 : i64} {
  func.func @_mm2_body(%arg0: i32, %arg1: memref<1000x128xf32, #tpu.memory_space<vmem>>, %arg2: memref<1000x128xf32, #tpu.memory_space<vmem>>, %arg3: memref<1000x128xf32, #tpu.memory_space<vmem>>, %arg4: memref<1000x128xf32, #tpu.memory_space<vmem>>, %arg5: memref<1000x1xf32, #tpu.memory_space<vmem>>, %arg6: memref<1000x1xf32, #tpu.memory_space<vmem>>, %arg7: memref<1x256xf32, #tpu.memory_space<vmem>>, %arg8: memref<256x256xf32, #tpu.memory_space<vmem>>, %arg9: memref<1x256xf32, #tpu.memory_space<vmem>>, %arg10: memref<1000x256xf32, #tpu.memory_space<vmem>>) attributes {dimension_semantics = [#tpu.dimension_semantics<arbitrary>], iteration_bounds = array<i64: 10>, scalar_prefetch = 0 : i64, scratch_operands = 0 : i64, tpu.core_type = #tpu.core_type<tc>, window_params = [{transform_indices = @transform_0, window_bounds = array<i64: 1000, 128>}, {transform_indices = @transform_1, window_bounds = array<i64: 1000, 128>}, {transform_indices = @transform_2, window_bounds = array<i64: 1000, 128>}, {transform_indices = @transform_3, window_bounds = array<i64: 1000, 128>}, {transform_indices = @transform_4, window_bounds = array<i64: 1000, 1>}, {transform_indices = @transform_5, window_bounds = array<i64: 1000, 1>}, {pipeline_mode = #tpu.pipeline_mode<synchronous>, transform_indices = @transform_6, window_bounds = array<i64: 1, 256>}, {pipeline_mode = #tpu.pipeline_mode<synchronous>, transform_indices = @transform_7, window_bounds = array<i64: 256, 256>}, {pipeline_mode = #tpu.pipeline_mode<synchronous>, transform_indices = @transform_8, window_bounds = array<i64: 1, 256>}, {transform_indices = @transform_9, window_bounds = array<i64: 1000, 256>}]} {
    %get3A = arith.constant 0 : index
    %get3A_0 = arith.constant 0 : index
    %get3A_1 = vector.load %arg5[%get3A, %get3A_0] : memref<1000x1xf32, #tpu.memory_space<vmem>>, vector<1000x1xf32>
    %get3A_2 = arith.constant 0 : index
    %get3A_3 = arith.constant 0 : index
    %get3A_4 = vector.load %arg6[%get3A_2, %get3A_3] : memref<1000x1xf32, #tpu.memory_space<vmem>>, vector<1000x1xf32>
    %add3A = arith.addf %get3A_1, %get3A_4 : vector<1000x1xf32>
    %add3A_5 = arith.constant 1.000000e+00 : f32
    %add3A_6 = vector.broadcast %add3A_5 : f32 to vector<1000x1xf32>
    %add3A_7 = arith.addf %add3A, %add3A_6 : vector<1000x1xf32>
    %rsqrt3A = math.rsqrt %add3A_7 : vector<1000x1xf32>
    %get3A_8 = arith.constant 0 : index
    %get3A_9 = arith.constant 0 : index
    %get3A_10 = vector.load %arg1[%get3A_8, %get3A_9] : memref<1000x128xf32, #tpu.memory_space<vmem>>, vector<1000x128xf32>
    %get3A_11 = arith.constant 0 : index
    %get3A_12 = arith.constant 0 : index
    %get3A_13 = vector.load %arg3[%get3A_11, %get3A_12] : memref<1000x128xf32, #tpu.memory_space<vmem>>, vector<1000x128xf32>
    %add3A_14 = arith.addf %get3A_10, %get3A_13 : vector<1000x128xf32>
    %mul3A = vector.broadcast %rsqrt3A : vector<1000x1xf32> to vector<1000x128xf32>
    %mul3A_15 = arith.mulf %add3A_14, %mul3A : vector<1000x128xf32>
    %get3A_16 = arith.constant 0 : index
    %get3A_17 = arith.constant 0 : index
    %get3A_18 = vector.load %arg2[%get3A_16, %get3A_17] : memref<1000x128xf32, #tpu.memory_space<vmem>>, vector<1000x128xf32>
    %get3A_19 = arith.constant 0 : index
    %get3A_20 = arith.constant 0 : index
    %get3A_21 = vector.load %arg4[%get3A_19, %get3A_20] : memref<1000x128xf32, #tpu.memory_space<vmem>>, vector<1000x128xf32>
    %add3A_22 = arith.addf %get3A_18, %get3A_21 : vector<1000x128xf32>
    %mul3A_23 = vector.broadcast %rsqrt3A : vector<1000x1xf32> to vector<1000x128xf32>
    %mul3A_24 = arith.mulf %add3A_22, %mul3A_23 : vector<1000x128xf32>
    %concatenate3A = tpu.concatenate %mul3A_15, %mul3A_24 in 1 : vector<1000x128xf32>, vector<1000x128xf32> -> vector<1000x256xf32>
    %get3A_25 = arith.constant 0 : index
    %get3A_26 = arith.constant 0 : index
    %get3A_27 = vector.load %arg7[%get3A_25, %get3A_26] : memref<1x256xf32, #tpu.memory_space<vmem>>, vector<1x256xf32>
    %add3A_28 = vector.broadcast %get3A_27 : vector<1x256xf32> to vector<1000x256xf32>
    %add3A_29 = arith.addf %concatenate3A, %add3A_28 : vector<1000x256xf32>
    %max3A = arith.constant 0.000000e+00 : f32
    %max3A_30 = vector.broadcast %max3A : f32 to vector<1000x256xf32>
    %max3A_31 = arith.maximumf %add3A_29, %max3A_30 : vector<1000x256xf32>
    %get3A_32 = arith.constant 0 : index
    %get3A_33 = arith.constant 0 : index
    %get3A_34 = vector.load %arg8[%get3A_32, %get3A_33] : memref<256x256xf32, #tpu.memory_space<vmem>>, vector<256x256xf32>
    %dot_general3A = arith.constant dense<0.000000e+00> : vector<1000x256xf32>
    %dot_general3A_35 = tpu.matmul %max3A_31, %get3A_34, %dot_general3A {dimension_numbers = #tpu.dot_dimension_numbers<[1], [0], [0], [1], [0, 0, 1, 1], [], []>, transpose_lhs_hint = false} : vector<1000x256xf32>, vector<256x256xf32>, vector<1000x256xf32> -> vector<1000x256xf32>
    %get3A_36 = arith.constant 0 : index
    %get3A_37 = arith.constant 0 : index
    %get3A_38 = vector.load %arg9[%get3A_36, %get3A_37] : memref<1x256xf32, #tpu.memory_space<vmem>>, vector<1x256xf32>
    %add3A_39 = vector.broadcast %get3A_38 : vector<1x256xf32> to vector<1000x256xf32>
    %add3A_40 = arith.addf %dot_general3A_35, %add3A_39 : vector<1000x256xf32>
    %swap3A = arith.constant 0 : index
    %swap3A_41 = arith.constant 0 : index
    %swap3A_42 = vector.load %arg10[%swap3A, %swap3A_41] : memref<1000x256xf32, #tpu.memory_space<vmem>>, vector<1000x256xf32>
    tpu.vector_store %arg10[%swap3A, %swap3A_41], %add3A_40 {strides = array<i32>} : memref<1000x256xf32, #tpu.memory_space<vmem>>, vector<1000x256xf32>,
    return
  }
  func.func @transform_0(%arg0: i32) -> (i32, i32) {
    %c0_i32 = arith.constant 0 : i32
    %c0_i32_0 = arith.constant 0 : i32
    return %arg0, %c0_i32 : i32, i32
  }
  func.func @transform_1(%arg0: i32) -> (i32, i32) {
    %c0_i32 = arith.constant 0 : i32
    %c0_i32_0 = arith.constant 0 : i32
    return %arg0, %c0_i32 : i32, i32
  }
  func.func @transform_2(%arg0: i32) -> (i32, i32) {
    %c0_i32 = arith.constant 0 : i32
    %c0_i32_0 = arith.constant 0 : i32
    return %arg0, %c0_i32 : i32, i32
  }
  func.func @transform_3(%arg0: i32) -> (i32, i32) {
    %c0_i32 = arith.constant 0 : i32
    %c0_i32_0 = arith.constant 0 : i32
    return %arg0, %c0_i32 : i32, i32
  }
  func.func @transform_4(%arg0: i32) -> (i32, i32) {
    %c0_i32 = arith.constant 0 : i32
    %c0_i32_0 = arith.constant 0 : i32
    return %arg0, %c0_i32 : i32, i32
  }
  func.func @transform_5(%arg0: i32) -> (i32, i32) {
    %c0_i32 = arith.constant 0 : i32
    %c0_i32_0 = arith.constant 0 : i32
    return %arg0, %c0_i32 : i32, i32
  }
  func.func @transform_6(%arg0: i32) -> (i32, i32) {
    %c0_i32 = arith.constant 0 : i32
    %c0_i32_0 = arith.constant 0 : i32
    %c0_i32_1 = arith.constant 0 : i32
    return %c0_i32, %c0_i32_0 : i32, i32
  }
  func.func @transform_7(%arg0: i32) -> (i32, i32) {
    %c0_i32 = arith.constant 0 : i32
    %c0_i32_0 = arith.constant 0 : i32
    %c0_i32_1 = arith.constant 0 : i32
    return %c0_i32, %c0_i32_0 : i32, i32
  }
  func.func @transform_8(%arg0: i32) -> (i32, i32) {
    %c0_i32 = arith.constant 0 : i32
    %c0_i32_0 = arith.constant 0 : i32
    %c0_i32_1 = arith.constant 0 : i32
    return %c0_i32, %c0_i32_0 : i32, i32
  }
  func.func @transform_9(%arg0: i32) -> (i32, i32) {
    %c0_i32 = arith.constant 0 : i32
    %c0_i32_0 = arith.constant 0 : i32
    return %arg0, %c0_i32 : i32, i32
  }
}

</mosaic_0001>

<sc_bundles>
// kernel: kernel.6.cloned.1.call-start
scs
__scs_entry_jumppad:
0x0: {  	(pc) =	sbr.rel $0x88, $3  }
0x1: {  	(tag) =	ssettag $0x0;
	lr =	simm.s32 $0x1  }
0x2: {  	[smem:$0x3F9A] =	sst lr;
	_ =	strace $0xD0000000  }
0x3: {  	_ = 	snop  }
0x4: {  	_ = 	snop  }
0x5: {  	_ = 	snop  }
0x6: {  	_ = 	snop  }
0x7: {  	_ = 	snop  }
__scs_overlays_trampoline_lowered:
0x8: {  	[smem:$0x3FA9] =	sst s0  }
0x9: {  	[smem:$0x3FAA] =	sst s1  }
0xa: {  	[smem:$0x3FAB] =	sst s2  }
0xb: {  	[smem:$0x3FAC] =	sst s3  }
0xc: {  	[smem:$0x3FAD] =	sst s4  }
0xd: {  	[smem:$0x3FAE] =	sst s5  }
0xe: {  	[smem:$0x3FAF] =	sst s6  }
0xf: {  	[smem:$0x3FB0] =	sst s7  }
0x10: {  	[smem:$0x3FB1] =	sst s8  }
0x11: {  	[smem:$0x3FB2] =	sst s9;
	s0 =	simm.s32 @!p0 $0x0  }
0x12: {  	s1 =	sld [smem:$0x3F98];
	s0 =	simm.s32 @p0 $0x1  }
0x13: {  	[smem:$0x3FB3] =	sst s0;
	s0 =	simm.s32 @!p1 $0x0  }
0x14: {  	s2 =	sld [smem:$0x3F97];
	s0 =	simm.s32 @p1 $0x1  }
0x15: {  	[smem:$0x3FB4] =	sst s0;
	s0 =	simm.s32 @!p2 $0x0  }
0x16: {  	s3 =	sld [smem:$0x3FDB];
	s0 =	simm.s32 @p2 $0x1  }
0x17: {  	s4 =	simm.s32 $0x1BF5;
	[smem:$0x3FB6] =	sst s0  }
0x18: {  	s0 =	sld [smem:$0x3F99];
	_ =	swait.ge [sflag:s4], $0x0  }
0x19: {  	s7 =	sld [smem:$0x3F9A]  }
0x1a: {  	s8 =	sadd.s32 $0xFFFFE003, lr  }
0x1b: {  	s9 =	sadd.s32 $0xFFFFFEF7, lr;
	s5 =	simm.s32 $0xFFFFFFFF;
	p2 =	slt.u32 s8, $0xFFFFF086  }
0x1c: {  	p1 =	slt.u32 s9, $0xF7A;
	s5 =	simm.s32 @!p2 $0x0  }
0x1d: {  	s5 =	simm.s32 @p1 $0x1;
	p0 =	seq.s32 s7, s2  }
0x1e: {  	s7 =	smul.u32 @!p0 $0xF7A, s2;
	p2 =	seq.s32 @!p0 s5, $0x0  }
0x1f: {  	s9 =	smul.u32 $0xF7A, s1;
	s8 =	simm.s32 @!p0 $0x1BF5;
	p2 =	por !p2, p0  }
0x20: {  	[sflag:s8] =	ssyncset.s32 @!p0 $0xFFFFF086;
	s6 =	sadd.s32 @!p0 s3, s7;
	s7 =	simm.s32 @!p0 $0x108  }
0x21: {  	s3 =	sadd.s32 s3, s9;
	s6 =	sadd.s32 @!p0 $0x88, s6;
	s7 =	simm.s32 @p2 $0x1082  }
0x22: {  	[simem:s7], [sflag:s8] =	dma.local @!p0 [hbm:s6], $0xF7A  }
0x23: {  	s9 =	sor.u32 $0xD0000000, s2;
	s6 =	simm.s32 $0x108;
	_ =	swait.ge @!p0 [sflag:s8], $0x0  }
0x24: {  	s3 =	sadd.s32 $0x88, s3;
	s6 =	simm.s32 @!p1 $0x1082;
	[sflag:s4] =	ssyncset.s32 $0xFFFFF086  }
0x25: {  	[simem:s6], [sflag:s4] =	dma.local [hbm:s3], $0xF7A  }
0x26: {  	[smem:$0x3F9A] =	sst s1;
	(tag) =	ssettag s2;
	_ =	strace s9  }
0x27: {  	s1 =	sld [smem:$0x3FAA]  }
0x28: {  	s2 =	sld [smem:$0x3FAB]  }
0x29: {  	s4 =	sld [smem:$0x3FAD]  }
0x2a: {  	p0 =	seq.s32 s5, $0x0;
	s5 =	sld [smem:$0x3FAE]  }
0x2b: {  	s6 =	sld [smem:$0x3FAF]  }
0x2c: {  	s7 =	sld [smem:$0x3FB0]  }
0x2d: {  	s3 =	simm.s32 $0x108;
	s8 =	sld [smem:$0x3FB1]  }
0x2e: {  	s3 =	simm.s32 @!p0 $0x1082;
	s9 =	sld [smem:$0x3FB2]  }
0x2f: {  	lr =	sadd.s32 s0, s3;
	s0 =	sld [smem:$0x3FA9]  }
0x30: {  	s3 =	sld [smem:$0x3FAC]  }
0x31: {  	[smem:$0x3FB5] =	sst s10  }
0x32: {  	s10 =	sld [smem:$0x3FB3];
	_ =	sdelay $0x3  }
0x33: {  	p0 =	seq.s32 s10, $0x1;
	s10 =	sld [smem:$0x3FB5];
	_ =	sdelay $0x3  }
0x34: {  	[smem:$0x3FB5] =	sst s10  }
0x35: {  	s10 =	sld [smem:$0x3FB4];
	_ =	sdelay $0x3  }
0x36: {  	p1 =	seq.s32 s10, $0x1;
	s10 =	sld [smem:$0x3FB5];
	_ =	sdelay $0x3  }
0x37: {  	[smem:$0x3FB5] =	sst s10  }
0x38: {  	s10 =	sld [smem:$0x3FB6]  }
0x39: {  	_ = 	snop;
	(pc) =	sbr.ind lr, $3  }
0x3a: {  	_ = 	snop  }
0x3b: {  	_ = 	snop  }
0x3c: {  	p2 =	seq.s32 s10, $0x1;
	s10 =	sld [smem:$0x3FB5]  }
0x3d: {  	_ =	shalt  }
0x3e: {  	_ =	shalt  }
0x3f: {  	_ =	shalt  }
0x40: {  	_ =	shalt  }
0x41: {  	_ =	shalt  }
0x42: {  	_ =	shalt  }
0x43: {  	_ =	shalt  }
0x44: {  	_ =	shalt  }
0x45: {  	_ =	shalt  }
0x46: {  	_ =	shalt  }
0x47: {  	_ =	shalt  }
0x48: {  	_ =	shalt  }
0x49: {  	_ =	shalt  }
0x4a: {  	_ =	shalt  }
0x4b: {  	_ =	shalt  }
0x4c: {  	_ =	shalt  }
0x4d: {  	_ =	shalt  }
0x4e: {  	_ =	shalt  }
0x4f: {  	_ =	shalt  }
0x50: {  	_ =	shalt  }
0x51: {  	_ =	shalt  }
0x52: {  	_ =	shalt  }
0x53: {  	_ =	shalt  }
0x54: {  	_ =	shalt  }
0x55: {  	_ =	shalt  }
0x56: {  	_ =	shalt  }
0x57: {  	_ =	shalt  }
0x58: {  	_ =	shalt  }
0x59: {  	_ =	shalt  }
0x5a: {  	_ =	shalt  }
0x5b: {  	_ =	shalt  }
0x5c: {  	_ =	shalt  }
0x5d: {  	_ =	shalt  }
0x5e: {  	_ =	shalt  }
0x5f: {  	_ =	shalt  }
0x60: {  	_ =	shalt  }
0x61: {  	_ =	shalt  }
0x62: {  	_ =	shalt  }
0x63: {  	_ =	shalt  }
0x64: {  	_ =	shalt  }
0x65: {  	_ =	shalt  }
0x66: {  	_ =	shalt  }
0x67: {  	_ =	shalt  }
0x68: {  	_ =	shalt  }
0x69: {  	_ =	shalt  }
0x6a: {  	_ =	shalt  }
0x6b: {  	_ =	shalt  }
0x6c: {  	_ =	shalt  }
0x6d: {  	_ =	shalt  }
0x6e: {  	_ =	shalt  }
0x6f: {  	_ =	shalt  }
0x70: {  	_ =	shalt  }
0x71: {  	_ =	shalt  }
0x72: {  	_ =	shalt  }
0x73: {  	_ =	shalt  }
0x74: {  	_ =	shalt  }
0x75: {  	_ =	shalt  }
0x76: {  	_ =	shalt  }
0x77: {  	_ =	shalt  }
0x78: {  	_ =	shalt  }
0x79: {  	_ =	shalt  }
0x7a: {  	_ =	shalt  }
0x7b: {  	_ =	shalt  }
0x7c: {  	_ =	shalt  }
0x7d: {  	_ =	shalt  }
0x7e: {  	_ =	shalt  }
0x7f: {  	_ =	shalt  }
0x80: {  	_ =	shalt  }
0x81: {  	_ =	shalt  }
0x82: {  	_ =	shalt  }
0x83: {  	_ =	shalt  }
0x84: {  	_ =	shalt  }
0x85: {  	_ =	shalt  }
0x86: {  	_ =	shalt  }
0x87: {  	_ =	shalt  }
.Lfunc_end0:
.L_simem_size_0:
called_computation_lowered:
.L_overlay_start_0:
0x88: {  	s2 =	sld [smem:$0x3FD9]  }
0x89: {  	s3 =	sld [smem:$0x3FFE];
	_ =	sdelay $0x1  }
0x8a: {  	s1 =	srdreg.scid  }
0x8b: {  	s0 =	sand.u32 $0x1, s1  }
0x8c: {  	s17 =	sshll.u32 s0, $0xA;
	s2 =	sadd.s32 s3, s2  }
0x8d: {  	s2 =	sadd.s32 s2, s17  }
0x8e: {  	[smem:$0x3FC1] =	sst s2  }
0x8f: {  	_ = 	snop  }
0x90: {  	s2 =	sld [smem:$0x3FD0];
	(tm) =	ssettm $0x1  }
0x91: {  	s18 =	sld [smem:$0x3FFB];
	_ =	sdelay $0x3  }
0x92: {  	_ =	strace s18  }
0x93: {  	s3 =	sld [smem:$0x3FFC];
	_ =	sdelay $0x3  }
0x94: {  	_ =	strace s3  }
0x95: {  	s3 =	sld [smem:$0x3FFD];
	_ =	sdelay $0x3  }
0x96: {  	_ =	strace s3  }
0x97: {  	_ =	strace $0x8FFFFFFF  }
0x98: {  	s19 =	sld [smem:$0x3FDB];
	_ =	sdelay $0x1  }
0x99: {  	s4 =	simm.s32 $_scs_section_size  }
0x9a: {  	s5 =	simm.s32 $_size__tile_overlayer_lowered;
	s6 =	simm.s32 $_tile_overlayer_lowered  }
0x9b: {  	s22 =	simm.s32 $0x1BFF;
	s21 =	sshll.u32 s6, $0x1;
	s3 =	sadd.s32 s4, s19  }
0x9c: {  	s7 =	simm.s32 $0x0;
	s20 =	sshll.u32 s5, $0x1;
	s5 =	sadd.s32 s21, s3  }
0x9d: {  	[timem:s7], [sflag:s22] =	dma.local [hbm:s5], s20  }
0x9e: {  	_ =	swait.ge [sflag:s22], s20  }
0x9f: {  	s4 =	ssub.s32 $0x0, s20;
	[sflag:s22] =	ssyncset.done $0x0  }
0xa0: {  	[sflag:s22] =	ssyncadd.s32 s4;
	_ =	sdelay $0x1  }
0xa1: {  	s23 =	simm.s32 $0x1B8B  }
0xa2: {  	_ =	swait.ge [sflag:s23], $0x1  }
0xa3: {  	[sflag:s23] =	ssyncset.done $0x0  }
0xa4: {  	s25 =	simm.s32 $0x1B8E;
	s24 =	sld [smem:$0x3FFE];
	[sflag:s23] =	ssyncadd.s32 $0xFFFFFFFF  }
0xa5: {  	s26 =	simm.s32 $execute0_lowered;
	[smem:$0x3FD2] =	sst s25  }
0xa6: {  	s5 =	sshll.u32 s26, $0x1;
	_ =	strace $0x80000046;
	[dreg:$0x1] =	wrdreg $0xFFFFFFFF  }
0xa7: {  	s28 =	simm.s32 $_size_execute0_lowered;
	s3 =	sadd.s32 s3, s5;
	[dreg:$0x0] =	wrdreg $0x0  }
0xa8: {  	s5 =	sshll.u32 s28, $0x1;
	[dreg:$0x2] =	wrdreg s3  }
0xa9: {  	[dreg:$0x3] =	wrdreg s5  }
0xaa: {  	[dreg:$0x4] =	wrdreg $0xC0  }
0xab: {  	_ =	task [dreg:s7], $0x5FFFF  }
0xac: {  	[dreg:$0x1] =	wrdreg $0xFFFFFFFF  }
0xad: {  	[dreg:$0x0] =	wrdreg $0x60  }
0xae: {  	[dreg:$0x2] =	wrdreg s24  }
0xaf: {  	[dreg:$0x3] =	wrdreg s2  }
0xb0: {  	[dreg:$0x4] =	wrdreg $0x7A800  }
0xb1: {  	[dreg:$0x5] =	wrdreg $0x9  }
0xb2: {  	_ =	task.clear_ibuf [dreg:s7], $0x6FFFF;
	_ =	strace $0x90000046  }
0xb3: {  	s29 =	simm.s32 $0x9;
	_ =	strace $0x80000048  }
0xb4: {  	_ =	swait.ge [sflag:s29], $0x1  }
0xb5: {  	[sflag:s29] =	ssyncadd.s32 $0xFFFFFFFF  }
0xb6: {  	_ =	strace $0x90000048  }
0xb7: {  	_ =	sfence  }
0xb8: {  	s30 =	sld [smem:$0x0];
	_ =	sdelay $0x2  }
0xb9: {  	s31 =	sshll.u32 s1, $0xD;
	s1 =	sshrl.u32 s1, $0x2  }
0xba: {  	s3 =	sand.u32 $0x4000, s31;
	s1 =	sadd.s32 s1, s30  }
0xbb: {  	s0 =	sor.u32 s3, s0;
	s1 =	sshll.u32 s1, $0x11  }
0xbc: {  	s0 =	sor.u32 s1, s0  }
0xbd: {  	s0 =	sadd.s32 $0x8F2B, s0  }
0xbe: {  	[sflag:s0] =	ssyncadd.remote.s32 $0x1  }
0xbf: {  	_ =	sfence.sel $0xFFFF  }
0xc0: {  	[dreg:$0x0] =	wrdreg $0xFFFFFFFF;
	(pc) =	sbr.abs _section_cstart, $3  }
0xc1: {  	[dreg:$0x1] =	wrdreg $0xFFFFFFFF  }
0xc2: {  	_ =	task.clear_ibuf [dreg:s7], $0x2FFFF;
	_ =	strace $0x9FFFFFFF  }
0xc3: {  	(tm) =	ssettm $0x7FFFFFFF  }
tec
execute0_lowered:
.L_overlay_start_1:
0x0: {  	(tag) =	ssettag $0x1  }
0x1: {  	s3 =	rddreg [dreg:$0x0]  }
0x2: {  	s0 =	srdreg.scid;
	s6 =	rddreg [dreg:$0x1]  }
0x3: {  	s7 =	rddreg [dreg:$0x2];
	s1 =	stileid.u32  }
0x4: {  	s2 =	simm.s32 $0x0;
	s14 =	simm.s32 $0x14000;
	s15 =	simm.s32 $0x5000  }
0x5: {  	s16 =	simm.s32 $0x7800;
	s5 =	sand.u32 $0x1, s0;
	s0 =	rddreg [dreg:$0x3]  }
0x6: {  	s17 =	simm.s32 $0x0;
	[smem:$0x7FF] =	sst s2;
	s10 =	sshrl.u32 s1, $0x3  }
0x7: {  	s11 =	sadd.s32 $0xD000, s3;
	s30 =	sshll.u32 s1, $0x7;
	s12 =	smul.u32 $0x5000, s1  }
0x8: {  	s13 =	smul.u32 $0x50, s1;
	s4 =	sshll.u32 s5, $0x4;
	_ =	strace $0x80000047  }
0x9: {  	s8 =	ssub.s32 $0x2, s5;
	s29 =	smul.u32 $0x50000, s10;
	s10 =	sand.u32 $0x380, s30  }
0xa: {  	p0 =	seq.s32 s5, $0x1;
	s4 =	sor.u32 s1, s4;
	s9 =	sshrl.u32 s8, $0x1  }
0xb: {  	s31 =	sshrl.u32 s12, $0x2;
	s11 =	smov.u32 @p0 s6;
	s12 =	simm.s32 $0x80  }
0xc: {  	s4 =	smul.u32 $0x280, s4;
	s8 =	ssub.s32 s8, s9;
	s9 =	sshrl.u32 s29, $0x2  }
0xd: {  	s6 =	sadd.s32 s31, s7;
	s9 =	sadd.s32 s9, s7;
	s7 =	smax.u32 s8, $0x1  }
0xe: {  	s8 =	sadd.s32 s11, s13;
	s11 =	simm.s32 $0x2800;
	s13 =	simm.s32 $0x400  }
0xf: {  	s4 =	sadd.s32 s4, s3;
	s5 =	sadd.s32 s10, s9;
	s9 =	simm.s32 $0x1  }
0x10: {  	v0 =	vimm.f32 $0.0e+00;
	s10 =	simm.s32 $0x1400;
	s3 =	sadd.s32 $0x3000, s4;
	s4 =	sadd.s32 $0x8000, s4  }
.LBB2_1:
0x11: {  	s18 =	simm.s32 $0x40;
	s19 =	simm.s32 $0x0  }
.LBB2_2:
0x12: {  	p0 =	sne.s32 s18, $0x9FC0;
	[tilespmem:s19+$0x2800] =	vst v0;
	s19 =	smov.u32 s18;
	s18 =	sadd.s32 $0x40, s18  }
.Ltmp0:
0x13: {  	(pc) =	sbr.rel @p0 .LBB2_2-.Ltmp0, $2  }
0x14: {  	_ =	sdelay $0x2  }
0x15: {  	s19 =	sshra.s32 s19, $0x2  }
0x16: {  	[tilespmem:s19+$0x2800] =	vst v0;
	s18 =	simm.s32 $0x0  }
0x17: {  	[tilespmem:s18], [sflag:$0x1] =	stream.linear.gather [hbm4b:s3+s18], $0x1400, $0x38;
	[tilespmem:$0xA280] =	vst v63  }
0x18: {  	_ =	swait.ge [sflag:s9], $0x1400  }
0x19: {  	[sflag:s9] =	ssyncset.done $0x0  }
0x1a: {  	[sflag:s9] =	ssyncadd.s32 $0xFFFFEC00  }
0x1b: {  	[tilespmem:s10], [sflag:$0x1] =	stream.linear.gather [hbm4b:s4+s18], $0x1400, $0x38;
	[tilespmem:$0xA280] =	vst v63  }
0x1c: {  	_ =	swait.ge [sflag:s9], $0x1400  }
0x1d: {  	[sflag:s9] =	ssyncset.done $0x0  }
0x1e: {  	[sflag:s9] =	ssyncadd.s32 $0xFFFFEC00  }
.LBB2_4:
0x1f: {  	s19 =	sshra.s32 s18, $0x2  }
0x20: {  	v1 =	vld [tilespmem:s19+$0x0];
	_ =	sdelay $0x2  }
0x21: {  	v2 =	vld [tilespmem:s19+$0x1400];
	_ =	sdelay $0x4  }
0x22: {  	[tilespmem:v1+s11+$0x0] =	vst.idx.add.f32.msk $0xffff, v2  }
0x23: {  	v1 =	vld [tilespmem:s19+$0x10];
	_ =	sdelay $0x2  }
0x24: {  	v2 =	vld [tilespmem:s19+$0x1410];
	_ =	sdelay $0x4  }
0x25: {  	[tilespmem:v1+s11+$0x0] =	vst.idx.add.f32.msk $0xffff, v2  }
0x26: {  	v1 =	vld [tilespmem:s19+$0x20];
	_ =	sdelay $0x2  }
0x27: {  	v2 =	vld [tilespmem:s19+$0x1420];
	_ =	sdelay $0x4  }
0x28: {  	[tilespmem:v1+s11+$0x0] =	vst.idx.add.f32.msk $0xffff, v2  }
0x29: {  	v1 =	vld [tilespmem:s19+$0x30];
	_ =	sdelay $0x2  }
0x2a: {  	v2 =	vld [tilespmem:s19+$0x1430];
	_ =	sdelay $0x4  }
0x2b: {  	[tilespmem:v1+s11+$0x0] =	vst.idx.add.f32.msk $0xffff, v2  }
0x2c: {  	v1 =	vld [tilespmem:s19+$0x40];
	_ =	sdelay $0x2  }
0x2d: {  	v2 =	vld [tilespmem:s19+$0x1440];
	_ =	sdelay $0x4  }
0x2e: {  	[tilespmem:v1+s11+$0x0] =	vst.idx.add.f32.msk $0xffff, v2  }
0x2f: {  	v1 =	vld [tilespmem:s19+$0x50];
	_ =	sdelay $0x2  }
0x30: {  	v2 =	vld [tilespmem:s19+$0x1450];
	_ =	sdelay $0x4  }
0x31: {  	[tilespmem:v1+s11+$0x0] =	vst.idx.add.f32.msk $0xffff, v2  }
0x32: {  	v1 =	vld [tilespmem:s19+$0x60];
	_ =	sdelay $0x2  }
0x33: {  	v2 =	vld [tilespmem:s19+$0x1460];
	_ =	sdelay $0x4  }
0x34: {  	[tilespmem:v1+s11+$0x0] =	vst.idx.add.f32.msk $0xffff, v2  }
0x35: {  	v1 =	vld [tilespmem:s19+$0x70];
	_ =	sdelay $0x2  }
0x36: {  	p0 =	sne.s32 s18, $0x4E00;
	v2 =	vld [tilespmem:s19+$0x1470]  }
.Ltmp1:
0x37: {  	_ = 	snop;
	(pc) =	sbr.rel @p0 .LBB2_4-.Ltmp1, $2  }
0x38: {  	_ =	sdelay $0x2  }
0x39: {  	s18 =	sadd.s32 $0x200, s18;
	[tilespmem:v1+s11+$0x0] =	vst.idx.add.f32.msk $0xffff, v2  }
0x3a: {  	[spmem:s5] =	stream.strided.scatter [tilespmem:s11], [sflag:$0x1], $0x2800, s13, s12, $0x38;
	[tilespmem:$0xA280] =	vst v63  }
0x3b: {  	_ =	swait.ge [sflag:s9], $0x2800  }
0x3c: {  	[sflag:s9] =	ssyncset.done $0x0  }
0x3d: {  	[sflag:s9] =	ssyncadd.s32 $0xFFFFD800  }
0x3e: {  	[bflag:$0x0] =	sbarrier.arrive $0xFFFF  }
0x3f: {  	[tilespmem:s15], [sflag:$0x1] =	stream.strided.gather [spmem:s6], $0x2800, s14, s10, $0x38;
	[tilespmem:$0xA280] =	vst v63  }
0x40: {  	s18 =	simm.s32 $0x0;
	_ =	swait.ge [sflag:s9], $0x2800  }
0x41: {  	s19 =	sand.u32 $0x70, s18;
	s18 =	sand.u32 $0x1C00, s18;
	[sflag:s9] =	ssyncset.done $0x0  }
0x42: {  	s18 =	sor.u32 s19, s18;
	[sflag:s9] =	ssyncadd.s32 $0xFFFFD800  }
0x43: {  	v1 =	vld [tilespmem:s18+$0x5080]  }
0x44: {  	v2 =	vld [tilespmem:s18+$0x5000];
	_ =	sdelay $0x1  }
0x45: {  	v3 =	vld [tilespmem:s18+$0x5100];
	_ =	sdelay $0x1  }
0x46: {  	v4 =	vld [tilespmem:s18+$0x5180]  }
0x47: {  	v1 =	vadd.f32 v1, v2  }
0x48: {  	v2 =	vld [tilespmem:s18+$0x5200]  }
0x49: {  	v1 =	vadd.f32 v3, v1  }
0x4a: {  	v3 =	vld [tilespmem:s18+$0x5280]  }
0x4b: {  	v1 =	vadd.f32 v4, v1  }
0x4c: {  	v60 =	vld [tilespmem:s18+$0x5300]  }
0x4d: {  	v1 =	vadd.f32 v2, v1  }
0x4e: {  	v2 =	vld [tilespmem:s18+$0x5380]  }
0x4f: {  	v1 =	vadd.f32 v3, v1  }
0x50: {  	v3 =	vld [tilespmem:s18+$0x6400]  }
0x51: {  	v1 =	vadd.f32 v60, v1  }
0x52: {  	v61 =	vld [tilespmem:s18+$0x6480]  }
0x53: {  	v1 =	vadd.f32 v2, v1  }
0x54: {  	v2 =	vld [tilespmem:s18+$0x6500]  }
0x55: {  	v1 =	vadd.f32 v3, v1  }
0x56: {  	v3 =	vld [tilespmem:s18+$0x6580]  }
0x57: {  	v1 =	vadd.f32 v61, v1  }
0x58: {  	v62 =	vld [tilespmem:s18+$0x6600]  }
0x59: {  	v1 =	vadd.f32 v2, v1  }
0x5a: {  	v2 =	vld [tilespmem:s18+$0x6680]  }
0x5b: {  	v1 =	vadd.f32 v3, v1  }
0x5c: {  	v3 =	vld [tilespmem:s18+$0x6700]  }
0x5d: {  	v1 =	vadd.f32 v62, v1  }
0x5e: {  	v63 =	vld [tilespmem:s18+$0x6780]  }
0x5f: {  	v1 =	vadd.f32 v2, v1;
	_ =	sdelay $0x1  }
0x60: {  	v1 =	vadd.f32 v3, v1;
	_ =	sdelay $0x1  }
0x61: {  	s31 =	simm.s32 $0x10;
	s20 =	simm.s32 $0x80;
	v1 =	vadd.f32 v63, v1  }
0x62: {  	s21 =	sand.u32 $0x1C00, s20;
	s19 =	sand.u32 $0x70, s31;
	s18 =	simm.s32 $0x7800  }
0x63: {  	s19 =	sor.u32 s19, s21;
	s21 =	simm.s32 $0x20;
	[tilespmem:s18+$0x0] =	vst v1  }
.LBB2_6:
0x64: {  	p0 =	sne.s32 s21, $0x270;
	v1 =	vld [tilespmem:s19+$0x5080]  }
0x65: {  	v2 =	vld [tilespmem:s19+$0x5000];
	_ =	sdelay $0x1  }
0x66: {  	v3 =	vld [tilespmem:s19+$0x5100];
	_ =	sdelay $0x1  }
0x67: {  	v4 =	vld [tilespmem:s19+$0x5180]  }
0x68: {  	v1 =	vadd.f32 v1, v2  }
0x69: {  	v2 =	vld [tilespmem:s19+$0x5200]  }
0x6a: {  	v1 =	vadd.f32 v3, v1  }
0x6b: {  	v3 =	vld [tilespmem:s19+$0x5280]  }
0x6c: {  	v1 =	vadd.f32 v4, v1  }
0x6d: {  	v4 =	vld [tilespmem:s19+$0x5300]  }
0x6e: {  	v1 =	vadd.f32 v2, v1  }
0x6f: {  	v2 =	vld [tilespmem:s19+$0x5380]  }
0x70: {  	v1 =	vadd.f32 v3, v1  }
0x71: {  	v3 =	vld [tilespmem:s19+$0x6400]  }
0x72: {  	v1 =	vadd.f32 v4, v1  }
0x73: {  	v4 =	vld [tilespmem:s19+$0x6480]  }
0x74: {  	v1 =	vadd.f32 v2, v1  }
0x75: {  	v2 =	vld [tilespmem:s19+$0x6500]  }
0x76: {  	v1 =	vadd.f32 v3, v1  }
0x77: {  	v3 =	vld [tilespmem:s19+$0x6580]  }
0x78: {  	v1 =	vadd.f32 v4, v1  }
0x79: {  	v4 =	vld [tilespmem:s19+$0x6600]  }
0x7a: {  	v1 =	vadd.f32 v2, v1  }
0x7b: {  	v2 =	vld [tilespmem:s19+$0x6680]  }
0x7c: {  	v1 =	vadd.f32 v3, v1  }
0x7d: {  	v3 =	vld [tilespmem:s19+$0x6700]  }
0x7e: {  	v1 =	vadd.f32 v4, v1  }
0x7f: {  	v4 =	vld [tilespmem:s19+$0x6780]  }
0x80: {  	v1 =	vadd.f32 v2, v1;
	_ =	sdelay $0x1  }
.Ltmp2:
0x81: {  	v1 =	vadd.f32 v3, v1;
	(pc) =	sbr.rel @p0 .LBB2_6-.Ltmp2, $4  }
0x82: {  	_ = 	snop  }
0x83: {  	s20 =	sadd.s32 $0x80, s20;
	v1 =	vadd.f32 v4, v1  }
0x84: {  	s18 =	sadd.s32 $0x10, s18;
	s22 =	sand.u32 $0x1C00, s20;
	s19 =	sand.u32 $0x70, s21  }
0x85: {  	s21 =	sadd.s32 $0x10, s21;
	s19 =	sor.u32 s19, s22;
	[tilespmem:s18+$0x0] =	vst v1  }
0x86: {  	v1 =	vld [tilespmem:s19+$0x5080]  }
0x87: {  	v2 =	vld [tilespmem:s19+$0x5000];
	_ =	sdelay $0x1  }
0x88: {  	v3 =	vld [tilespmem:s19+$0x5100];
	_ =	sdelay $0x1  }
0x89: {  	v4 =	vld [tilespmem:s19+$0x5180]  }
0x8a: {  	v1 =	vadd.f32 v1, v2  }
0x8b: {  	v2 =	vld [tilespmem:s19+$0x5200]  }
0x8c: {  	v1 =	vadd.f32 v3, v1  }
0x8d: {  	v3 =	vld [tilespmem:s19+$0x5280]  }
0x8e: {  	v1 =	vadd.f32 v4, v1  }
0x8f: {  	v60 =	vld [tilespmem:s19+$0x5300]  }
0x90: {  	v1 =	vadd.f32 v2, v1  }
0x91: {  	v2 =	vld [tilespmem:s19+$0x5380]  }
0x92: {  	v1 =	vadd.f32 v3, v1  }
0x93: {  	v3 =	vld [tilespmem:s19+$0x6400]  }
0x94: {  	v1 =	vadd.f32 v60, v1  }
0x95: {  	v61 =	vld [tilespmem:s19+$0x6480]  }
0x96: {  	v1 =	vadd.f32 v2, v1  }
0x97: {  	v2 =	vld [tilespmem:s19+$0x6500]  }
0x98: {  	v1 =	vadd.f32 v3, v1  }
0x99: {  	v3 =	vld [tilespmem:s19+$0x6580]  }
0x9a: {  	v1 =	vadd.f32 v61, v1  }
0x9b: {  	v62 =	vld [tilespmem:s19+$0x6600]  }
0x9c: {  	v1 =	vadd.f32 v2, v1  }
0x9d: {  	v2 =	vld [tilespmem:s19+$0x6680]  }
0x9e: {  	v1 =	vadd.f32 v3, v1  }
0x9f: {  	v3 =	vld [tilespmem:s19+$0x6700]  }
0xa0: {  	v1 =	vadd.f32 v62, v1  }
0xa1: {  	v63 =	vld [tilespmem:s19+$0x6780]  }
0xa2: {  	v1 =	vadd.f32 v2, v1;
	_ =	sdelay $0x1  }
0xa3: {  	v1 =	vadd.f32 v3, v1;
	_ =	sdelay $0x1  }
0xa4: {  	s17 =	sadd.s32 $0x1, s17;
	v1 =	vadd.f32 v63, v1  }
0xa5: {  	s18 =	sadd.s32 $0x10, s18;
	p0 =	sne.s32 s17, s7  }
.Ltmp3:
0xa6: {  	[tilespmem:s18+$0x0] =	vst v1;
	(pc) =	sbr.rel @p0 .LBB2_1-.Ltmp3, $4  }
0xa7: {  	[hbm4b:s8+s2] =	stream.linear.scatter [tilespmem:s16], [sflag:$0x1], $0x280, $0x38;
	[tilespmem:$0xA280] =	vst v63  }
0xa8: {  	_ =	swait.ge [sflag:s9], $0x280  }
0xa9: {  	[sflag:s9] =	ssyncset.done $0x0  }
0xaa: {  	[sflag:s9] =	ssyncadd.s32 $0xFFFFFD80  }
0xab: {  	_ =	sfence.sel $0x180000  }
0xac: {  	[bflag:$0x0] =	sbarrier.arrive $0xFFFF  }
0xad: {  	p0 =	sne.s32 s1, $0x0;
	_ =	strace $0x90000047  }
0xae: {  	s0 =	sadd.s32 @!p0 $0x100000, s0;
	[bflag:$0x2] =	sbarrier.arrive $0xFFFF  }
0xaf: {  	[sflag:s0] =	ssyncadd.tile.s32 @!p0 $0x1;
	_ =	shalt  }
.Lfunc_end2:
_tile_overlayer_lowered:
.L_overlay_start_2:
0xb0: {  	(tag) =	ssettag $0x2  }
0xb1: {  	s0 =	rddreg [dreg:$0x0];
	s2 =	stileid.u32  }
0xb2: {  	s1 =	rddreg [dreg:$0x1];
	p0 =	sne.s32 s2, $0x0  }
0xb3: {  	s3 =	rddreg [dreg:$0x2];
	[bflag:$0x3] =	sbarrier.arrive $0xFFFF;
	s2 =	simm.s32 @!p0 $0x1C01  }
0xb4: {  	[timem:s3], [sflag:s2] =	dma.local @!p0 [hbm:s0], s1  }
0xb5: {  	s0 =	simm.s32 @!p0 $0x1  }
0xb6: {  	_ =	swait.ge @!p0 [sflag:s0], s1  }
0xb7: {  	s1 =	ssub.s32 @!p0 $0x0, s1;
	[sflag:s0] =	ssyncset.done @!p0 $0x0  }
0xb8: {  	[sflag:s0] =	ssyncadd.s32 @!p0 s1  }
0xb9: {  	[bflag:$0x3] =	sbarrier.arrive $0xFFFF  }
0xba: {  	_ =	shalt  }

// kernel: kernel.9.cloned.1.call-start
scs
__scs_entry_jumppad:
0x0: {  	(pc) =	sbr.rel $0x88, $3  }
0x1: {  	(tag) =	ssettag $0x0;
	lr =	simm.s32 $0x1  }
0x2: {  	[smem:$0x3F9A] =	sst lr;
	_ =	strace $0xD0000000  }
0x3: {  	_ = 	snop  }
0x4: {  	_ = 	snop  }
0x5: {  	_ = 	snop  }
0x6: {  	_ = 	snop  }
0x7: {  	_ = 	snop  }
__scs_overlays_trampoline_lowered:
0x8: {  	[smem:$0x3FA9] =	sst s0  }
0x9: {  	[smem:$0x3FAA] =	sst s1  }
0xa: {  	[smem:$0x3FAB] =	sst s2  }
0xb: {  	[smem:$0x3FAC] =	sst s3  }
0xc: {  	[smem:$0x3FAD] =	sst s4  }
0xd: {  	[smem:$0x3FAE] =	sst s5  }
0xe: {  	[smem:$0x3FAF] =	sst s6  }
0xf: {  	[smem:$0x3FB0] =	sst s7  }
0x10: {  	[smem:$0x3FB1] =	sst s8  }
0x11: {  	[smem:$0x3FB2] =	sst s9;
	s0 =	simm.s32 @!p0 $0x0  }
0x12: {  	s1 =	sld [smem:$0x3F98];
	s0 =	simm.s32 @p0 $0x1  }
0x13: {  	[smem:$0x3FB3] =	sst s0;
	s0 =	simm.s32 @!p1 $0x0  }
0x14: {  	s2 =	sld [smem:$0x3F97];
	s0 =	simm.s32 @p1 $0x1  }
0x15: {  	[smem:$0x3FB4] =	sst s0;
	s0 =	simm.s32 @!p2 $0x0  }
0x16: {  	s3 =	sld [smem:$0x3FDB];
	s0 =	simm.s32 @p2 $0x1  }
0x17: {  	s4 =	simm.s32 $0x1BF5;
	[smem:$0x3FB6] =	sst s0  }
0x18: {  	s0 =	sld [smem:$0x3F99];
	_ =	swait.ge [sflag:s4], $0x0  }
0x19: {  	s7 =	sld [smem:$0x3F9A]  }
0x1a: {  	s8 =	sadd.s32 $0xFFFFE003, lr  }
0x1b: {  	s9 =	sadd.s32 $0xFFFFFEF7, lr;
	s5 =	simm.s32 $0xFFFFFFFF;
	p2 =	slt.u32 s8, $0xFFFFF086  }
0x1c: {  	p1 =	slt.u32 s9, $0xF7A;
	s5 =	simm.s32 @!p2 $0x0  }
0x1d: {  	s5 =	simm.s32 @p1 $0x1;
	p0 =	seq.s32 s7, s2  }
0x1e: {  	s7 =	smul.u32 @!p0 $0xF7A, s2;
	p2 =	seq.s32 @!p0 s5, $0x0  }
0x1f: {  	s9 =	smul.u32 $0xF7A, s1;
	s8 =	simm.s32 @!p0 $0x1BF5;
	p2 =	por !p2, p0  }
0x20: {  	[sflag:s8] =	ssyncset.s32 @!p0 $0xFFFFF086;
	s6 =	sadd.s32 @!p0 s3, s7;
	s7 =	simm.s32 @!p0 $0x108  }
0x21: {  	s3 =	sadd.s32 s3, s9;
	s6 =	sadd.s32 @!p0 $0x88, s6;
	s7 =	simm.s32 @p2 $0x1082  }
0x22: {  	[simem:s7], [sflag:s8] =	dma.local @!p0 [hbm:s6], $0xF7A  }
0x23: {  	s9 =	sor.u32 $0xD0000000, s2;
	s6 =	simm.s32 $0x108;
	_ =	swait.ge @!p0 [sflag:s8], $0x0  }
0x24: {  	s3 =	sadd.s32 $0x88, s3;
	s6 =	simm.s32 @!p1 $0x1082;
	[sflag:s4] =	ssyncset.s32 $0xFFFFF086  }
0x25: {  	[simem:s6], [sflag:s4] =	dma.local [hbm:s3], $0xF7A  }
0x26: {  	[smem:$0x3F9A] =	sst s1;
	(tag) =	ssettag s2;
	_ =	strace s9  }
0x27: {  	s1 =	sld [smem:$0x3FAA]  }
0x28: {  	s2 =	sld [smem:$0x3FAB]  }
0x29: {  	s4 =	sld [smem:$0x3FAD]  }
0x2a: {  	p0 =	seq.s32 s5, $0x0;
	s5 =	sld [smem:$0x3FAE]  }
0x2b: {  	s6 =	sld [smem:$0x3FAF]  }
0x2c: {  	s7 =	sld [smem:$0x3FB0]  }
0x2d: {  	s3 =	simm.s32 $0x108;
	s8 =	sld [smem:$0x3FB1]  }
0x2e: {  	s3 =	simm.s32 @!p0 $0x1082;
	s9 =	sld [smem:$0x3FB2]  }
0x2f: {  	lr =	sadd.s32 s0, s3;
	s0 =	sld [smem:$0x3FA9]  }
0x30: {  	s3 =	sld [smem:$0x3FAC]  }
0x31: {  	[smem:$0x3FB5] =	sst s10  }
0x32: {  	s10 =	sld [smem:$0x3FB3];
	_ =	sdelay $0x3  }
0x33: {  	p0 =	seq.s32 s10, $0x1;
	s10 =	sld [smem:$0x3FB5];
	_ =	sdelay $0x3  }
0x34: {  	[smem:$0x3FB5] =	sst s10  }
0x35: {  	s10 =	sld [smem:$0x3FB4];
	_ =	sdelay $0x3  }
0x36: {  	p1 =	seq.s32 s10, $0x1;
	s10 =	sld [smem:$0x3FB5];
	_ =	sdelay $0x3  }
0x37: {  	[smem:$0x3FB5] =	sst s10  }
0x38: {  	s10 =	sld [smem:$0x3FB6]  }
0x39: {  	_ = 	snop;
	(pc) =	sbr.ind lr, $3  }
0x3a: {  	_ = 	snop  }
0x3b: {  	_ = 	snop  }
0x3c: {  	p2 =	seq.s32 s10, $0x1;
	s10 =	sld [smem:$0x3FB5]  }
0x3d: {  	_ =	shalt  }
0x3e: {  	_ =	shalt  }
0x3f: {  	_ =	shalt  }
0x40: {  	_ =	shalt  }
0x41: {  	_ =	shalt  }
0x42: {  	_ =	shalt  }
0x43: {  	_ =	shalt  }
0x44: {  	_ =	shalt  }
0x45: {  	_ =	shalt  }
0x46: {  	_ =	shalt  }
0x47: {  	_ =	shalt  }
0x48: {  	_ =	shalt  }
0x49: {  	_ =	shalt  }
0x4a: {  	_ =	shalt  }
0x4b: {  	_ =	shalt  }
0x4c: {  	_ =	shalt  }
0x4d: {  	_ =	shalt  }
0x4e: {  	_ =	shalt  }
0x4f: {  	_ =	shalt  }
0x50: {  	_ =	shalt  }
0x51: {  	_ =	shalt  }
0x52: {  	_ =	shalt  }
0x53: {  	_ =	shalt  }
0x54: {  	_ =	shalt  }
0x55: {  	_ =	shalt  }
0x56: {  	_ =	shalt  }
0x57: {  	_ =	shalt  }
0x58: {  	_ =	shalt  }
0x59: {  	_ =	shalt  }
0x5a: {  	_ =	shalt  }
0x5b: {  	_ =	shalt  }
0x5c: {  	_ =	shalt  }
0x5d: {  	_ =	shalt  }
0x5e: {  	_ =	shalt  }
0x5f: {  	_ =	shalt  }
0x60: {  	_ =	shalt  }
0x61: {  	_ =	shalt  }
0x62: {  	_ =	shalt  }
0x63: {  	_ =	shalt  }
0x64: {  	_ =	shalt  }
0x65: {  	_ =	shalt  }
0x66: {  	_ =	shalt  }
0x67: {  	_ =	shalt  }
0x68: {  	_ =	shalt  }
0x69: {  	_ =	shalt  }
0x6a: {  	_ =	shalt  }
0x6b: {  	_ =	shalt  }
0x6c: {  	_ =	shalt  }
0x6d: {  	_ =	shalt  }
0x6e: {  	_ =	shalt  }
0x6f: {  	_ =	shalt  }
0x70: {  	_ =	shalt  }
0x71: {  	_ =	shalt  }
0x72: {  	_ =	shalt  }
0x73: {  	_ =	shalt  }
0x74: {  	_ =	shalt  }
0x75: {  	_ =	shalt  }
0x76: {  	_ =	shalt  }
0x77: {  	_ =	shalt  }
0x78: {  	_ =	shalt  }
0x79: {  	_ =	shalt  }
0x7a: {  	_ =	shalt  }
0x7b: {  	_ =	shalt  }
0x7c: {  	_ =	shalt  }
0x7d: {  	_ =	shalt  }
0x7e: {  	_ =	shalt  }
0x7f: {  	_ =	shalt  }
0x80: {  	_ =	shalt  }
0x81: {  	_ =	shalt  }
0x82: {  	_ =	shalt  }
0x83: {  	_ =	shalt  }
0x84: {  	_ =	shalt  }
0x85: {  	_ =	shalt  }
0x86: {  	_ =	shalt  }
0x87: {  	_ =	shalt  }
.Lfunc_end0:
.L_simem_size_0:
called_computation.1_lowered:
.L_overlay_start_0:
0x88: {  	s2 =	sld [smem:$0x3FD9]  }
0x89: {  	s3 =	sld [smem:$0x3FFE];
	_ =	sdelay $0x1  }
0x8a: {  	s1 =	srdreg.scid  }
0x8b: {  	s0 =	sand.u32 $0x1, s1  }
0x8c: {  	s17 =	sshll.u32 s0, $0xA;
	s2 =	sadd.s32 s3, s2  }
0x8d: {  	s2 =	sadd.s32 s2, s17  }
0x8e: {  	[smem:$0x3FC1] =	sst s2  }
0x8f: {  	_ = 	snop  }
0x90: {  	s2 =	sld [smem:$0x3FD0];
	(tm) =	ssettm $0x1  }
0x91: {  	s18 =	sld [smem:$0x3FFB];
	_ =	sdelay $0x3  }
0x92: {  	_ =	strace s18  }
0x93: {  	s3 =	sld [smem:$0x3FFC];
	_ =	sdelay $0x3  }
0x94: {  	_ =	strace s3  }
0x95: {  	s3 =	sld [smem:$0x3FFD];
	_ =	sdelay $0x3  }
0x96: {  	_ =	strace s3  }
0x97: {  	_ =	strace $0x8FFFFFFF  }
0x98: {  	s19 =	sld [smem:$0x3FDB];
	_ =	sdelay $0x1  }
0x99: {  	s4 =	simm.s32 $_scs_section_size  }
0x9a: {  	s5 =	simm.s32 $_size__tile_overlayer_lowered;
	s6 =	simm.s32 $_tile_overlayer_lowered  }
0x9b: {  	s22 =	simm.s32 $0x1BFF;
	s21 =	sshll.u32 s6, $0x1;
	s3 =	sadd.s32 s4, s19  }
0x9c: {  	s7 =	simm.s32 $0x0;
	s20 =	sshll.u32 s5, $0x1;
	s5 =	sadd.s32 s21, s3  }
0x9d: {  	[timem:s7], [sflag:s22] =	dma.local [hbm:s5], s20  }
0x9e: {  	_ =	swait.ge [sflag:s22], s20  }
0x9f: {  	s4 =	ssub.s32 $0x0, s20;
	[sflag:s22] =	ssyncset.done $0x0  }
0xa0: {  	[sflag:s22] =	ssyncadd.s32 s4;
	_ =	sdelay $0x1  }
0xa1: {  	s23 =	simm.s32 $0x1B8B  }
0xa2: {  	_ =	swait.ge [sflag:s23], $0x1  }
0xa3: {  	[sflag:s23] =	ssyncset.done $0x0  }
0xa4: {  	s25 =	simm.s32 $0x1B8E;
	s24 =	sld [smem:$0x3FFE];
	[sflag:s23] =	ssyncadd.s32 $0xFFFFFFFF  }
0xa5: {  	s26 =	simm.s32 $execute0_lowered;
	[smem:$0x3FD2] =	sst s25  }
0xa6: {  	s5 =	sshll.u32 s26, $0x1;
	_ =	strace $0x80000049;
	[dreg:$0x1] =	wrdreg $0xFFFFFFFF  }
0xa7: {  	s28 =	simm.s32 $_size_execute0_lowered;
	s3 =	sadd.s32 s3, s5;
	[dreg:$0x0] =	wrdreg $0x0  }
0xa8: {  	s5 =	sshll.u32 s28, $0x1;
	[dreg:$0x2] =	wrdreg s3  }
0xa9: {  	[dreg:$0x3] =	wrdreg s5  }
0xaa: {  	[dreg:$0x4] =	wrdreg $0xC0  }
0xab: {  	_ =	task [dreg:s7], $0x5FFFF  }
0xac: {  	[dreg:$0x1] =	wrdreg $0xFFFFFFFF  }
0xad: {  	[dreg:$0x0] =	wrdreg $0x60  }
0xae: {  	[dreg:$0x2] =	wrdreg s24  }
0xaf: {  	[dreg:$0x3] =	wrdreg s2  }
0xb0: {  	[dreg:$0x4] =	wrdreg $0xB8000  }
0xb1: {  	[dreg:$0x5] =	wrdreg $0x9  }
0xb2: {  	_ =	task.clear_ibuf [dreg:s7], $0x6FFFF;
	_ =	strace $0x90000049  }
0xb3: {  	s29 =	simm.s32 $0x9;
	_ =	strace $0x8000004B  }
0xb4: {  	_ =	swait.ge [sflag:s29], $0x1  }
0xb5: {  	[sflag:s29] =	ssyncadd.s32 $0xFFFFFFFF  }
0xb6: {  	_ =	strace $0x9000004B  }
0xb7: {  	_ =	sfence  }
0xb8: {  	s30 =	sld [smem:$0x0];
	_ =	sdelay $0x2  }
0xb9: {  	s31 =	sshll.u32 s1, $0xD;
	s1 =	sshrl.u32 s1, $0x2  }
0xba: {  	s3 =	sand.u32 $0x4000, s31;
	s1 =	sadd.s32 s1, s30  }
0xbb: {  	s0 =	sor.u32 s3, s0;
	s1 =	sshll.u32 s1, $0x11  }
0xbc: {  	s0 =	sor.u32 s1, s0  }
0xbd: {  	s0 =	sadd.s32 $0x8F2B, s0  }
0xbe: {  	[sflag:s0] =	ssyncadd.remote.s32 $0x1  }
0xbf: {  	_ =	sfence.sel $0xFFFF  }
0xc0: {  	[dreg:$0x0] =	wrdreg $0xFFFFFFFF;
	(pc) =	sbr.abs _section_cstart, $3  }
0xc1: {  	[dreg:$0x1] =	wrdreg $0xFFFFFFFF  }
0xc2: {  	_ =	task.clear_ibuf [dreg:s7], $0x2FFFF;
	_ =	strace $0x9FFFFFFF  }
0xc3: {  	(tm) =	ssettm $0x7FFFFFFF  }
tec
execute0_lowered:
.L_overlay_start_1:
0x0: {  	(tag) =	ssettag $0x1  }
0x1: {  	s0 =	rddreg [dreg:$0x0]  }
0x2: {  	s7 =	rddreg [dreg:$0x1]  }
0x3: {  	s2 =	rddreg [dreg:$0x2];
	s3 =	simm.s32 $0x0  }
0x4: {  	s1 =	stileid.u32;
	s6 =	srdreg.scid;
	s14 =	simm.s32 $0x8A600  }
0x5: {  	s15 =	simm.s32 $0x80;
	s16 =	simm.s32 $0x3800;
	s17 =	simm.s32 $0x7800  }
0x6: {  	s18 =	simm.s32 $0x2800;
	s19 =	simm.s32 $0x3000;
	s21 =	simm.s32 $0x2  }
0x7: {  	s22 =	simm.s32 $0x0;
	[smem:$0x7FF] =	sst s3;
	s5 =	smul.u32 $0x500, s1  }
0x8: {  	s4 =	sadd.s32 $0x12600, s0;
	s10 =	sand.u32 $0x1, s6;
	s8 =	smul.u32 $0x50000, s1  }
0x9: {  	s12 =	smul.u32 $0x2800, s1;
	s6 =	sadd.s32 $0x8000, s0;
	s31 =	sshll.u32 s1, $0x6  }
0xa: {  	_ =	strace $0x8000004A;
	s11 =	ssub.s32 $0x2, s10;
	s20 =	smul.u32 $0x2800, s10  }
0xb: {  	p0 =	seq.s32 s10, $0x1;
	s10 =	smul.u32 $0x50, s1;
	s9 =	sadd.s32 s5, s0  }
0xc: {  	s5 =	sadd.s32 $0x3000, s0;
	s13 =	sshrl.u32 s11, $0x1;
	s8 =	sshrl.u32 s8, $0x2  }
0xd: {  	s7 =	sadd.s32 s7, s12;
	s14 =	simm.s32 @!p0 $0x62600;
	s11 =	ssub.s32 s11, s13  }
0xe: {  	s30 =	sadd.s32 s8, s2;
	s8 =	sor.u32 $0x1C03, s31;
	s9 =	sadd.s32 $0xD600, s9  }
0xf: {  	s0 =	sadd.s32 s14, s0;
	s14 =	simm.s32 $0x3;
	v0 =	vmov s20;
	s20 =	simm.s32 $0x1  }
0x10: {  	s11 =	smax.u32 s11, $0x1;
	s12 =	sadd.s32 s0, s12;
	s13 =	sshrl.u32 s30, $0x3  }
.LBB2_1:
0x11: {  	[spmem:s13], [sflag:s8] =	dma.local [hbm:s7], $0x2800  }
0x12: {  	_ =	swait.ge [sflag:s14], $0x2800  }
0x13: {  	[sflag:s14] =	ssyncset.done $0x0  }
0x14: {  	[sflag:s14] =	ssyncadd.s32 $0xFFFFD800  }
0x15: {  	[bflag:$0x0] =	sbarrier.arrive $0xFFFF  }
0x16: {  	[tilespmem:s3], [sflag:$0x3] =	stream.linear.gather [hbm4b:s9+s3], $0x2800, $0x38;
	[tilespmem:$0x1F800] =	vst v63  }
0x17: {  	_ =	swait.ge [sflag:s14], $0x2800  }
0x18: {  	[sflag:s14] =	ssyncset.done $0x0  }
0x19: {  	s24 =	simm.s32 $0x20;
	[sflag:s14] =	ssyncadd.s32 $0xFFFFD800  }
0x1a: {  	v1 =	vld [tilespmem:s24+$0xFFFFFFE0]  }
0x1b: {  	v3 =	vld [tilespmem:s24+$0x0]  }
0x1c: {  	v2 =	vld [tilespmem:s24+$0x10]  }
0x1d: {  	v4 =	vld [tilespmem:s24+$0xFFFFFFF0];
	_ =	sdelay $0x1  }
0x1e: {  	s23 =	simm.s32 $0x60;
	v5 =	vadd.s32 v0, v1  }
0x1f: {  	v1 =	vld [tilespmem:s23+$0xFFFFFFE0];
	v6 =	vadd.s32 v0, v3;
	[tilespmem:s24+$0xFFFFFFE0] =	vst v5  }
0x20: {  	v3 =	vld [tilespmem:s23+$0x0];
	v5 =	vadd.s32 v0, v2;
	[tilespmem:s24+$0x0] =	vst v6  }
0x21: {  	s25 =	simm.s32 $0x40;
	v4 =	vadd.s32 v0, v4;
	v2 =	vld [tilespmem:s23+$0x10];
	[tilespmem:s24+$0x10] =	vst v5  }
.LBB2_2:
0x22: {  	s25 =	sadd.s32 $0x40, s25  }
0x23: {  	v5 =	vld [tilespmem:s23+$0xFFFFFFF0];
	[tilespmem:s24+$0xFFFFFFF0] =	vst v4;
	s24 =	smov.u32 s23;
	p0 =	slt.u32 s25, $0x27C0  }
.Ltmp0:
0x24: {  	(pc) =	sbr.rel @p0 .LBB2_2-.Ltmp0, $4  }
0x25: {  	s23 =	sadd.s32 $0x40, s23;
	v4 =	vadd.s32 v0, v1  }
0x26: {  	v1 =	vld [tilespmem:s23+$0xFFFFFFE0];
	[tilespmem:s24+$0xFFFFFFE0] =	vst v4;
	v4 =	vadd.s32 v0, v2  }
0x27: {  	v2 =	vld [tilespmem:s23+$0x10];
	v6 =	vadd.s32 v0, v3;
	[tilespmem:s24+$0x10] =	vst v4  }
0x28: {  	v3 =	vld [tilespmem:s23+$0x0];
	v4 =	vadd.s32 v0, v5;
	[tilespmem:s24+$0x0] =	vst v6  }
0x29: {  	v5 =	vld [tilespmem:s23+$0xFFFFFFF0];
	_ =	sdelay $0x1  }
0x2a: {  	[tilespmem:s24+$0xFFFFFFF0] =	vst v4;
	v1 =	vadd.s32 v0, v1  }
0x2b: {  	[tilespmem:s23+$0xFFFFFFE0] =	vst v1;
	v1 =	vadd.s32 v0, v2  }
0x2c: {  	v2 =	vadd.s32 v0, v3;
	[tilespmem:s23+$0x10] =	vst v1  }
0x2d: {  	v1 =	vadd.s32 v0, v5;
	[tilespmem:s23+$0x0] =	vst v2  }
0x2e: {  	[tilespmem:s23+$0xFFFFFFF0] =	vst v1;
	s23 =	simm.s32 $0x0  }
0x2f: {  	[tilespmem:s16], [sflag:$0x1] =	stream.indirect.gather [hbm4b:s4+s15], $0x80, s23, s15, $0xb8;
	[tilespmem:$0x1F800] =	vst v63  }
0x30: {  	s24 =	simm.s32 $0x0  }
0x31: {  	[tilespmem:s17], [sflag:$0x2] =	stream.indirect.gather [hbm4b:s4+s15], $0x80, s15, s15, $0xb8;
	[tilespmem:$0x1F800] =	vst v63  }
.LBB2_4:
0x32: {  	s25 =	sshll.u32 s24, $0x4  }
0x33: {  	s0 =	sadd.s32 s10, s25  }
0x34: {  	s0 =	sshll.u32 s0, $0x4  }
0x35: {  	s26 =	sadd.s32 s5, s0  }
0x36: {  	[tilespmem:s18], [sflag:$0x3] =	stream.linear.gather [hbm4b:s26+s23], $0x800, $0x38;
	[tilespmem:$0x1F800] =	vst v63  }
0x37: {  	_ =	swait.ge [sflag:s14], $0x800  }
0x38: {  	[sflag:s14] =	ssyncset.done $0x0  }
0x39: {  	s0 =	sadd.s32 s6, s0;
	[sflag:s14] =	ssyncadd.s32 $0xFFFFF800  }
0x3a: {  	[tilespmem:s19], [sflag:$0x3] =	stream.linear.gather [hbm4b:s0+s23], $0x800, $0x38;
	[tilespmem:$0x1F800] =	vst v63  }
0x3b: {  	_ =	swait.ge [sflag:s14], $0x800  }
0x3c: {  	[sflag:s14] =	ssyncset.done $0x0  }
0x3d: {  	s26 =	simm.s32 $0x0;
	[sflag:s14] =	ssyncadd.s32 $0xFFFFF800  }
.LBB2_5:
0x3e: {  	s0 =	simm.s32 $0x0;
	_ =	swait.ge [sflag:s20], $0x4000  }
0x3f: {  	s28 =	sshll.u32 s26, $0x8;
	s1 =	simm.s32 $0x1;
	[sflag:s20] =	ssyncset.done $0x0  }
0x40: {  	s29 =	simm.s32 $0x3A00;
	v1 =	vmov s0;
	v3 =	vmov s1;
	s1 =	simm.s32 $0x7;
	[sflag:s20] =	ssyncadd.s32 $0xFFFFC000  }
0x41: {  	v2 =	vmov s28;
	v1 =	vand.u32 $0x78, v1;
	v4 =	vmov s1;
	v6 =	vld [tilespmem:s29+$0xFFFFFE10]  }
0x42: {  	v1 =	vor.u32 v2, v1;
	v4 =	vand.u32 $0x7F, v4;
	v7 =	vld [tilespmem:s29+$0xFFFFFE20]  }
0x43: {  	v8 =	vld [tilespmem:s29+$0xFFFFFE30];
	v1 =	vbroadcast v1, $0x0;
	v4 =	vor.u32 v2, v4  }
0x44: {  	v9 =	vld [tilespmem:s29+$0xFFFFFE40];
	v4 =	vbroadcast v4, $0x0  }
0x45: {  	v10 =	vld [tilespmem:s29+$0xFFFFFE50]  }
0x46: {  	v11 =	vld [tilespmem:s29+$0xFFFFFE60]  }
0x47: {  	v3 =	vand.u32 $0x79, v3;
	v13 =	vld [tilespmem:s29+$0x1F0]  }
0x48: {  	v3 =	vor.u32 v2, v3;
	v14 =	vld [tilespmem:s29+$0xFFFFFE80]  }
0x49: {  	v3 =	vbroadcast v3, $0x0;
	v5 =	vld.idx.msk [tilespmem:v1+s19+$0x0], $0xffff  }
0x4a: {  	v1 =	vld.idx.msk [tilespmem:v4+s19+$0x0], $0xffff  }
0x4b: {  	v4 =	vld [tilespmem:s29+$0xFFFFFE00]  }
0x4c: {  	v15 =	vld [tilespmem:s29+$0xFFFFFE90]  }
0x4d: {  	v16 =	vld [tilespmem:s29+$0xFFFFFEA0]  }
0x4e: {  	v17 =	vld [tilespmem:s29+$0xFFFFFEB0];
	v6 =	vmul.f32 v6, v5  }
0x4f: {  	v3 =	vld.idx.msk [tilespmem:v3+s19+$0x0], $0xffff;
	v7 =	vmul.f32 v7, v5  }
0x50: {  	s1 =	simm.s32 $0x2;
	v18 =	vld [tilespmem:s29+$0xFFFFFEC0];
	v4 =	vmul.f32 v4, v5;
	[tilespmem:s29+$0xFFFFFE10] =	vst v6  }
0x51: {  	v12 =	vmov s1;
	v8 =	vmul.f32 v8, v5;
	v6 =	vld [tilespmem:s29+$0xFFFFFEE0];
	[tilespmem:s29+$0xFFFFFE20] =	vst v7  }
0x52: {  	v13 =	vmul.f32 v13, v1;
	v7 =	vmul.f32 v9, v5;
	v9 =	vld [tilespmem:s29+$0xFFFFFEF0];
	[tilespmem:s29+$0xFFFFFE00] =	vst v4;
	v4 =	vand.u32 $0x7A, v12  }
0x53: {  	[tilespmem:s29+$0xFFFFFE30] =	vst v8;
	v8 =	vmul.f32 v10, v5;
	v12 =	vld [tilespmem:s29+$0xFFFFFE70];
	v4 =	vor.u32 v2, v4  }
0x54: {  	v10 =	vld [tilespmem:s29+$0xFFFFFF00];
	[tilespmem:s29+$0x1F0] =	vst v13;
	v13 =	vmul.f32 v14, v3;
	v4 =	vbroadcast v4, $0x0  }
0x55: {  	s1 =	simm.s32 $0x3;
	v14 =	vld [tilespmem:s29+$0xFFFFFED0];
	[tilespmem:s29+$0xFFFFFE40] =	vst v7  }
0x56: {  	v7 =	vmul.f32 v11, v5;
	v11 =	vld [tilespmem:s29+$0xFFFFFF10];
	[tilespmem:s29+$0xFFFFFE80] =	vst v13;
	v13 =	vmov s1  }
0x57: {  	v18 =	vmul.f32 v18, v3;
	[tilespmem:s29+$0xFFFFFE50] =	vst v8;
	v8 =	vld [tilespmem:s29+$0xFFFFFF20];
	v13 =	vand.u32 $0x7B, v13  }
0x58: {  	[tilespmem:s29+$0xFFFFFE60] =	vst v7;
	v7 =	vmul.f32 v15, v3;
	v15 =	vld [tilespmem:s29+$0xFFFFFF40];
	v13 =	vor.u32 v2, v13;
	v5 =	vmul.f32 v12, v5  }
0x59: {  	v6 =	vmul.f32 v6, v3;
	v13 =	vbroadcast v13, $0x0;
	v12 =	vld [tilespmem:s29+$0xFFFFFF30]  }
0x5a: {  	v14 =	vmul.f32 v14, v3;
	[tilespmem:s29+$0xFFFFFE70] =	vst v5;
	v5 =	vmul.f32 v16, v3;
	v4 =	vld.idx.msk [tilespmem:v4+s19+$0x0], $0xffff  }
0x5b: {  	[tilespmem:s29+$0xFFFFFE90] =	vst v7;
	v16 =	vmul.f32 v17, v3;
	v3 =	vmul.f32 v9, v3;
	v9 =	vld [tilespmem:s29+$0xFFFFFF90]  }
0x5c: {  	[tilespmem:s29+$0xFFFFFED0] =	vst v14;
	v14 =	vld [tilespmem:s29+$0xFFFFFFD0]  }
0x5d: {  	[tilespmem:s29+$0xFFFFFEA0] =	vst v5;
	v5 =	vld [tilespmem:s29+$0xFFFFFF60]  }
0x5e: {  	[tilespmem:s29+$0xFFFFFEB0] =	vst v16;
	v16 =	vld [tilespmem:s29+$0xFFFFFF70]  }
0x5f: {  	[tilespmem:s29+$0xFFFFFEE0] =	vst v6;
	v13 =	vld.idx.msk [tilespmem:v13+s19+$0x0], $0xffff;
	v7 =	vmul.f32 v10, v4  }
0x60: {  	s1 =	simm.s32 $0x4;
	[tilespmem:s29+$0xFFFFFEF0] =	vst v3;
	v10 =	vld [tilespmem:s29+$0xFFFFFF50];
	v6 =	vmul.f32 v11, v4  }
0x61: {  	v17 =	vmov s1;
	v11 =	vld [tilespmem:s29+$0xFFFFFFA0];
	v3 =	vmul.f32 v8, v4;
	[tilespmem:s29+$0xFFFFFF00] =	vst v7  }
0x62: {  	v15 =	vmul.f32 v15, v4;
	v7 =	vand.u32 $0x7C, v17;
	v17 =	vld [tilespmem:s29+$0xFFFFFF80];
	[tilespmem:s29+$0xFFFFFF10] =	vst v6  }
0x63: {  	v8 =	vld [tilespmem:s29+$0xFFFFFFB0];
	v5 =	vmul.f32 v5, v4;
	[tilespmem:s29+$0xFFFFFF20] =	vst v3;
	v7 =	vor.u32 v2, v7  }
0x64: {  	v6 =	vmul.f32 v12, v4;
	v12 =	vld [tilespmem:s29+$0xFFFFFFC0];
	[tilespmem:s29+$0xFFFFFF40] =	vst v15;
	v7 =	vbroadcast v7, $0x0  }
0x65: {  	v15 =	vld [tilespmem:s29+$0xFFFFFFF0];
	[tilespmem:s29+$0xFFFFFF60] =	vst v5;
	v5 =	vmul.f32 v9, v13  }
0x66: {  	v9 =	vld [tilespmem:s29+$0x10];
	[tilespmem:s29+$0xFFFFFF30] =	vst v6;
	v10 =	vmul.f32 v10, v4  }
0x67: {  	s1 =	simm.s32 $0x5;
	v6 =	vld [tilespmem:s29+$0xFFFFFFE0];
	[tilespmem:s29+$0xFFFFFF90] =	vst v5;
	v3 =	vmul.f32 v17, v13  }
0x68: {  	v4 =	vmul.f32 v16, v4;
	v5 =	vmul.f32 v8, v13;
	v8 =	vld [tilespmem:s29+$0x30];
	v17 =	vmov s1;
	[tilespmem:s29+$0xFFFFFF50] =	vst v10  }
0x69: {  	v14 =	vmul.f32 v14, v13;
	v10 =	vld [tilespmem:s29+$0x0];
	[tilespmem:s29+$0xFFFFFF80] =	vst v3;
	v3 =	vand.u32 $0x7D, v17  }
0x6a: {  	[tilespmem:s29+$0xFFFFFF70] =	vst v4;
	v4 =	vmul.f32 v11, v13;
	v7 =	vld.idx.msk [tilespmem:v7+s19+$0x0], $0xffff;
	v3 =	vor.u32 v2, v3  }
0x6b: {  	[tilespmem:s29+$0xFFFFFFD0] =	vst v14;
	v14 =	vld [tilespmem:s29+$0x70];
	v3 =	vbroadcast v3, $0x0  }
0x6c: {  	v11 =	vld [tilespmem:s29+$0x20];
	[tilespmem:s29+$0xFFFFFFA0] =	vst v4;
	v4 =	vmul.f32 v12, v13  }
0x6d: {  	[tilespmem:s29+$0xFFFFFFB0] =	vst v5;
	v12 =	vld [tilespmem:s29+$0x40];
	v6 =	vmul.f32 v6, v13;
	v13 =	vmul.f32 v15, v13  }
0x6e: {  	[tilespmem:s29+$0xFFFFFFC0] =	vst v4;
	v4 =	vld [tilespmem:s29+$0x60]  }
0x6f: {  	s1 =	simm.s32 $0x6;
	[tilespmem:s29+$0xFFFFFFF0] =	vst v13;
	v13 =	vld [tilespmem:s29+$0x90];
	v5 =	vmul.f32 v10, v7  }
0x70: {  	v16 =	vmov s1;
	[tilespmem:s29+$0xFFFFFFE0] =	vst v6;
	v10 =	vld [tilespmem:s29+$0x50];
	v6 =	vmul.f32 v9, v7  }
0x71: {  	v11 =	vmul.f32 v11, v7;
	v3 =	vld.idx.msk [tilespmem:v3+s19+$0x0], $0xffff;
	[tilespmem:s29+$0x0] =	vst v5;
	v5 =	vand.u32 $0x7E, v16  }
0x72: {  	v9 =	vld [tilespmem:s29+$0x80];
	[tilespmem:s29+$0x10] =	vst v6;
	v6 =	vmul.f32 v8, v7;
	v5 =	vor.u32 v2, v5  }
0x73: {  	[tilespmem:s29+$0x20] =	vst v11;
	v11 =	vmul.f32 v12, v7;
	v12 =	vld [tilespmem:s29+$0xB0];
	v5 =	vbroadcast v5, $0x0  }
0x74: {  	v4 =	vmul.f32 v4, v7;
	v8 =	vld [tilespmem:s29+$0xA0];
	[tilespmem:s29+$0x30] =	vst v6  }
0x75: {  	[tilespmem:s29+$0x40] =	vst v11;
	v11 =	vld [tilespmem:s29+$0xD0];
	v6 =	vmul.f32 v10, v7  }
0x76: {  	[tilespmem:s29+$0x60] =	vst v4;
	v10 =	vld [tilespmem:s29+$0xC0];
	v4 =	vmul.f32 v13, v3  }
0x77: {  	[tilespmem:s29+$0x50] =	vst v6;
	v6 =	vld [tilespmem:s29+$0xE0]  }
0x78: {  	v9 =	vmul.f32 v9, v3;
	[tilespmem:s29+$0x90] =	vst v4;
	v4 =	vmul.f32 v12, v3;
	v12 =	vld [tilespmem:s29+$0x110]  }
0x79: {  	[tilespmem:s29+$0xFFFFFEC0] =	vst v18;
	v17 =	vld.idx.msk [tilespmem:v5+s19+$0x0], $0xffff;
	v5 =	vmul.f32 v14, v7  }
0x7a: {  	s1 =	simm.s32 $0x8;
	[tilespmem:s29+$0x80] =	vst v9;
	v7 =	vld [tilespmem:s29+$0xF0]  }
0x7b: {  	s30 =	simm.s32 $0xB;
	v9 =	vmov s1;
	s1 =	simm.s32 $0x9;
	[tilespmem:s29+$0x70] =	vst v5;
	v5 =	vmul.f32 v8, v3;
	v8 =	vld [tilespmem:s29+$0x100]  }
0x7c: {  	v15 =	vmov s30;
	s30 =	simm.s32 $0xD;
	v13 =	vmov s1;
	s1 =	simm.s32 $0xA;
	[tilespmem:s29+$0xB0] =	vst v4;
	v4 =	vmul.f32 v11, v3  }
0x7d: {  	v18 =	vmov s30;
	v14 =	vmov s1;
	s1 =	simm.s32 $0xC;
	[tilespmem:s29+$0xA0] =	vst v5;
	v5 =	vmul.f32 v10, v3;
	v10 =	vld [tilespmem:s29+$0x120]  }
0x7e: {  	v9 =	vand.u32 $0x78, v9;
	v11 =	vld [tilespmem:s29+$0x130];
	v16 =	vmov s1;
	[tilespmem:s29+$0xD0] =	vst v4;
	v12 =	vmul.f32 v12, v17  }
0x7f: {  	v19 =	vld [tilespmem:s29+$0x140];
	s1 =	simm.s32 $0xE;
	[tilespmem:s29+$0xC0] =	vst v5;
	v5 =	vmul.f32 v6, v3;
	v6 =	vor.u32 v2, v9;
	v3 =	vmul.f32 v7, v3  }
0x80: {  	v7 =	vmov s1;
	v9 =	vand.u32 $0x79, v13;
	v4 =	vmul.f32 v8, v17;
	v8 =	vld [tilespmem:s29+$0x150];
	[tilespmem:s29+$0x110] =	vst v12  }
0x81: {  	v20 =	vld [tilespmem:s29+$0x160];
	v13 =	vand.u32 $0x7A, v14;
	v14 =	vand.u32 $0x7C, v16;
	v16 =	vand.u32 $0x7E, v7;
	[tilespmem:s29+$0xE0] =	vst v5  }
0x82: {  	v9 =	vor.u32 v2, v9;
	[tilespmem:s29+$0xF0] =	vst v3;
	v3 =	vand.u32 $0x7D, v18;
	v18 =	vld [tilespmem:s29+$0x170];
	v7 =	vmul.f32 v10, v17  }
0x83: {  	v14 =	vor.u32 v2, v14;
	[tilespmem:s29+$0x100] =	vst v4;
	v4 =	vbroadcast v6, $0x0;
	v10 =	vmul.f32 v11, v17;
	v6 =	vld [tilespmem:s29+$0x180]  }
0x84: {  	v5 =	vand.u32 $0x7B, v15;
	v11 =	vor.u32 v2, v13;
	v13 =	vmul.f32 v19, v17;
	[tilespmem:s29+$0x120] =	vst v7;
	v7 =	vld [tilespmem:s29+$0x190]  }
0x85: {  	v12 =	vor.u32 v2, v5;
	v5 =	vbroadcast v9, $0x0;
	[tilespmem:s29+$0x130] =	vst v10;
	v19 =	vmul.f32 v8, v17;
	v8 =	vld [tilespmem:s29+$0x1A0]  }
0x86: {  	v16 =	vor.u32 v2, v16;
	v9 =	vld [tilespmem:s29+$0x1B0];
	v10 =	vbroadcast v11, $0x0;
	[tilespmem:s29+$0x140] =	vst v13;
	v13 =	vmul.f32 v20, v17  }
0x87: {  	s31 =	simm.s32 $0x10;
	s0 =	simm.s32 $0xF;
	s30 =	sshll.u32 s26, $0x1;
	v15 =	vor.u32 v2, v3;
	v12 =	vbroadcast v12, $0x0;
	v11 =	vld [tilespmem:s29+$0x1C0];
	v17 =	vmul.f32 v18, v17;
	[tilespmem:s29+$0x150] =	vst v19  }
.LBB2_6:
0x88: {  	p0 =	slt.u32 s31, $0x78;
	v3 =	vbroadcast v14, $0x0;
	v14 =	vmov s0;
	[tilespmem:s29+$0x160] =	vst v13;
	v6 =	vmul.f32 v6, v1;
	v13 =	vld [tilespmem:s29+$0x1D0]  }
0x89: {  	v15 =	vbroadcast v15, $0x0;
	v14 =	vand.u32 $0x7F, v14;
	[tilespmem:s29+$0x170] =	vst v17;
	v7 =	vmul.f32 v7, v1;
	v17 =	vld [tilespmem:s29+$0x1E0]  }
0x8a: {  	v16 =	vbroadcast v16, $0x0;
	v18 =	vld.idx.msk [tilespmem:v4+s19+$0x0], $0xffff;
	v4 =	vor.u32 v2, v14;
	[tilespmem:s29+$0x180] =	vst v6;
	v6 =	vmul.f32 v8, v1  }
0x8b: {  	v8 =	vld.idx.msk [tilespmem:v5+s19+$0x0], $0xffff;
	v14 =	vbroadcast v4, $0x0;
	[tilespmem:s29+$0x190] =	vst v7;
	v4 =	vmul.f32 v9, v1  }
0x8c: {  	v7 =	vld.idx.msk [tilespmem:v10+s19+$0x0], $0xffff;
	[tilespmem:s29+$0x1A0] =	vst v6;
	v9 =	vmul.f32 v11, v1  }
0x8d: {  	v6 =	vld.idx.msk [tilespmem:v12+s19+$0x0], $0xffff;
	[tilespmem:s29+$0x1B0] =	vst v4;
	v10 =	vmul.f32 v13, v1  }
0x8e: {  	v5 =	vld.idx.msk [tilespmem:v3+s19+$0x0], $0xffff;
	[tilespmem:s29+$0x1C0] =	vst v9;
	v1 =	vmul.f32 v17, v1  }
0x8f: {  	v4 =	vld.idx.msk [tilespmem:v15+s19+$0x0], $0xffff;
	[tilespmem:s29+$0x1D0] =	vst v10  }
0x90: {  	v3 =	vld.idx.msk [tilespmem:v16+s19+$0x0], $0xffff;
	[tilespmem:s29+$0x1E0] =	vst v1  }
0x91: {  	s29 =	sadd.s32 $0x400, s29;
	v1 =	vld.idx.msk [tilespmem:v14+s19+$0x0], $0xffff  }
0x92: {  	v9 =	vld [tilespmem:s29+$0x1F0]  }
0x93: {  	v10 =	vld [tilespmem:s29+$0xFFFFFE00]  }
0x94: {  	v11 =	vld [tilespmem:s29+$0xFFFFFE10]  }
0x95: {  	v12 =	vld [tilespmem:s29+$0xFFFFFE20]  }
0x96: {  	v13 =	vld [tilespmem:s29+$0xFFFFFE30]  }
0x97: {  	v14 =	vld [tilespmem:s29+$0xFFFFFE40];
	v9 =	vmul.f32 v9, v1  }
0x98: {  	v10 =	vmul.f32 v10, v18;
	v15 =	vld [tilespmem:s29+$0xFFFFFE50]  }
0x99: {  	v11 =	vmul.f32 v11, v18;
	v16 =	vld [tilespmem:s29+$0xFFFFFE60];
	[tilespmem:s29+$0x1F0] =	vst v9  }
0x9a: {  	[tilespmem:s29+$0xFFFFFE00] =	vst v10;
	v9 =	vmul.f32 v12, v18;
	v10 =	vld [tilespmem:s29+$0xFFFFFE70]  }
0x9b: {  	[tilespmem:s29+$0xFFFFFE10] =	vst v11;
	v11 =	vmul.f32 v13, v18;
	v12 =	vld [tilespmem:s29+$0xFFFFFE80]  }
0x9c: {  	[tilespmem:s29+$0xFFFFFE20] =	vst v9;
	v9 =	vmul.f32 v14, v18;
	v13 =	vld [tilespmem:s29+$0xFFFFFE90]  }
0x9d: {  	[tilespmem:s29+$0xFFFFFE30] =	vst v11;
	v11 =	vmul.f32 v15, v18;
	v14 =	vld [tilespmem:s29+$0xFFFFFEA0]  }
0x9e: {  	[tilespmem:s29+$0xFFFFFE40] =	vst v9;
	v9 =	vmul.f32 v16, v18;
	v15 =	vld [tilespmem:s29+$0xFFFFFEB0]  }
0x9f: {  	[tilespmem:s29+$0xFFFFFE50] =	vst v11;
	v10 =	vmul.f32 v10, v18;
	v11 =	vld [tilespmem:s29+$0xFFFFFEC0]  }
0xa0: {  	[tilespmem:s29+$0xFFFFFE60] =	vst v9;
	v9 =	vmul.f32 v12, v8;
	v12 =	vld [tilespmem:s29+$0xFFFFFED0]  }
0xa1: {  	[tilespmem:s29+$0xFFFFFE70] =	vst v10;
	v10 =	vmul.f32 v13, v8;
	v13 =	vld [tilespmem:s29+$0xFFFFFEE0]  }
0xa2: {  	[tilespmem:s29+$0xFFFFFE80] =	vst v9;
	v9 =	vmul.f32 v14, v8;
	v14 =	vld [tilespmem:s29+$0xFFFFFEF0]  }
0xa3: {  	[tilespmem:s29+$0xFFFFFE90] =	vst v10;
	v10 =	vmul.f32 v15, v8;
	v15 =	vld [tilespmem:s29+$0xFFFFFF00]  }
0xa4: {  	[tilespmem:s29+$0xFFFFFEA0] =	vst v9;
	v9 =	vmul.f32 v11, v8;
	v11 =	vld [tilespmem:s29+$0xFFFFFF10]  }
0xa5: {  	[tilespmem:s29+$0xFFFFFEB0] =	vst v10;
	v10 =	vmul.f32 v12, v8;
	v12 =	vld [tilespmem:s29+$0xFFFFFF20]  }
0xa6: {  	[tilespmem:s29+$0xFFFFFEC0] =	vst v9;
	v9 =	vmul.f32 v13, v8;
	v13 =	vld [tilespmem:s29+$0xFFFFFF30]  }
0xa7: {  	[tilespmem:s29+$0xFFFFFED0] =	vst v10;
	v8 =	vmul.f32 v14, v8;
	v10 =	vld [tilespmem:s29+$0xFFFFFF40]  }
0xa8: {  	[tilespmem:s29+$0xFFFFFEE0] =	vst v9;
	v9 =	vmul.f32 v15, v7;
	v14 =	vld [tilespmem:s29+$0xFFFFFF50]  }
0xa9: {  	[tilespmem:s29+$0xFFFFFEF0] =	vst v8;
	v8 =	vmul.f32 v11, v7;
	v11 =	vld [tilespmem:s29+$0xFFFFFF60]  }
0xaa: {  	[tilespmem:s29+$0xFFFFFF00] =	vst v9;
	v9 =	vmul.f32 v12, v7;
	v12 =	vld [tilespmem:s29+$0xFFFFFF70]  }
0xab: {  	[tilespmem:s29+$0xFFFFFF10] =	vst v8;
	v8 =	vmul.f32 v13, v7;
	v13 =	vld [tilespmem:s29+$0xFFFFFF80]  }
0xac: {  	[tilespmem:s29+$0xFFFFFF20] =	vst v9;
	v9 =	vmul.f32 v10, v7;
	v10 =	vld [tilespmem:s29+$0xFFFFFF90]  }
0xad: {  	[tilespmem:s29+$0xFFFFFF30] =	vst v8;
	v8 =	vmul.f32 v14, v7;
	v14 =	vld [tilespmem:s29+$0xFFFFFFA0]  }
0xae: {  	[tilespmem:s29+$0xFFFFFF40] =	vst v9;
	v9 =	vmul.f32 v11, v7;
	v11 =	vld [tilespmem:s29+$0xFFFFFFB0]  }
0xaf: {  	[tilespmem:s29+$0xFFFFFF50] =	vst v8;
	v7 =	vmul.f32 v12, v7;
	v8 =	vld [tilespmem:s29+$0xFFFFFFC0]  }
0xb0: {  	[tilespmem:s29+$0xFFFFFF60] =	vst v9;
	v9 =	vmul.f32 v13, v6;
	v12 =	vld [tilespmem:s29+$0xFFFFFFD0]  }
0xb1: {  	[tilespmem:s29+$0xFFFFFF70] =	vst v7;
	v7 =	vmul.f32 v10, v6;
	v10 =	vld [tilespmem:s29+$0xFFFFFFE0]  }
0xb2: {  	[tilespmem:s29+$0xFFFFFF80] =	vst v9;
	v9 =	vmul.f32 v14, v6;
	v13 =	vld [tilespmem:s29+$0xFFFFFFF0]  }
0xb3: {  	[tilespmem:s29+$0xFFFFFF90] =	vst v7;
	v7 =	vmul.f32 v11, v6;
	v11 =	vld [tilespmem:s29+$0x0]  }
0xb4: {  	[tilespmem:s29+$0xFFFFFFA0] =	vst v9;
	v8 =	vmul.f32 v8, v6;
	v9 =	vld [tilespmem:s29+$0x10]  }
0xb5: {  	[tilespmem:s29+$0xFFFFFFB0] =	vst v7;
	v7 =	vmul.f32 v12, v6;
	v12 =	vld [tilespmem:s29+$0x20]  }
0xb6: {  	[tilespmem:s29+$0xFFFFFFC0] =	vst v8;
	v8 =	vmul.f32 v10, v6;
	v10 =	vld [tilespmem:s29+$0x30]  }
0xb7: {  	[tilespmem:s29+$0xFFFFFFD0] =	vst v7;
	v6 =	vmul.f32 v13, v6;
	v7 =	vld [tilespmem:s29+$0x40]  }
0xb8: {  	[tilespmem:s29+$0xFFFFFFE0] =	vst v8;
	v8 =	vmul.f32 v11, v5;
	v11 =	vld [tilespmem:s29+$0x50]  }
0xb9: {  	[tilespmem:s29+$0xFFFFFFF0] =	vst v6;
	v6 =	vmul.f32 v9, v5;
	v9 =	vld [tilespmem:s29+$0x60]  }
0xba: {  	[tilespmem:s29+$0x0] =	vst v8;
	v8 =	vmul.f32 v12, v5;
	v12 =	vld [tilespmem:s29+$0x70]  }
0xbb: {  	[tilespmem:s29+$0x10] =	vst v6;
	v6 =	vmul.f32 v10, v5;
	v10 =	vld [tilespmem:s29+$0x80]  }
0xbc: {  	[tilespmem:s29+$0x20] =	vst v8;
	v7 =	vmul.f32 v7, v5;
	v8 =	vld [tilespmem:s29+$0x90]  }
0xbd: {  	[tilespmem:s29+$0x30] =	vst v6;
	v6 =	vmul.f32 v11, v5;
	v11 =	vld [tilespmem:s29+$0xA0]  }
0xbe: {  	[tilespmem:s29+$0x40] =	vst v7;
	v7 =	vmul.f32 v9, v5;
	v9 =	vld [tilespmem:s29+$0xB0]  }
0xbf: {  	[tilespmem:s29+$0x50] =	vst v6;
	v5 =	vmul.f32 v12, v5;
	v6 =	vld [tilespmem:s29+$0xC0]  }
0xc0: {  	[tilespmem:s29+$0x60] =	vst v7;
	v7 =	vmul.f32 v10, v4;
	v10 =	vld [tilespmem:s29+$0xD0]  }
0xc1: {  	[tilespmem:s29+$0x70] =	vst v5;
	v5 =	vmul.f32 v8, v4;
	v8 =	vld [tilespmem:s29+$0xE0]  }
0xc2: {  	[tilespmem:s29+$0x80] =	vst v7;
	v7 =	vmul.f32 v11, v4;
	v11 =	vld [tilespmem:s29+$0xF0]  }
0xc3: {  	s0 =	sadd.s32 $0x1, s31;
	v12 =	vmov s31;
	[tilespmem:s29+$0x90] =	vst v5;
	v5 =	vmul.f32 v9, v4;
	v9 =	vld [tilespmem:s29+$0x100]  }
0xc4: {  	s1 =	sadd.s32 $0x3, s31;
	v13 =	vmov s0;
	s0 =	sadd.s32 $0x2, s31;
	v12 =	vand.u32 $0x78, v12;
	[tilespmem:s29+$0xA0] =	vst v7;
	v6 =	vmul.f32 v6, v4;
	v7 =	vld [tilespmem:s29+$0x110]  }
0xc5: {  	v15 =	vmov s1;
	s1 =	sadd.s32 $0x5, s31;
	v14 =	vmov s0;
	s0 =	sadd.s32 $0x4, s31;
	[tilespmem:s29+$0xB0] =	vst v5;
	v5 =	vmul.f32 v10, v4;
	v10 =	vld [tilespmem:s29+$0x120]  }
0xc6: {  	v17 =	vmov s1;
	v16 =	vmov s0;
	s0 =	sadd.s32 $0x6, s31;
	[tilespmem:s29+$0xC0] =	vst v6;
	v6 =	vmul.f32 v8, v4;
	v8 =	vld [tilespmem:s29+$0x130]  }
0xc7: {  	v18 =	vmov s0;
	v12 =	vor.u32 v2, v12;
	[tilespmem:s29+$0xD0] =	vst v5;
	v4 =	vmul.f32 v11, v4;
	v5 =	vld [tilespmem:s29+$0x140]  }
0xc8: {  	v11 =	vand.u32 $0x79, v13;
	v13 =	vand.u32 $0x7A, v14;
	[tilespmem:s29+$0xE0] =	vst v6;
	v6 =	vmul.f32 v9, v3;
	v9 =	vld [tilespmem:s29+$0x150]  }
0xc9: {  	v14 =	vand.u32 $0x7B, v15;
	v15 =	vand.u32 $0x7C, v16;
	[tilespmem:s29+$0xF0] =	vst v4;
	v7 =	vmul.f32 v7, v3;
	v16 =	vld [tilespmem:s29+$0x160]  }
0xca: {  	v17 =	vand.u32 $0x7D, v17;
	v18 =	vand.u32 $0x7E, v18;
	[tilespmem:s29+$0x100] =	vst v6;
	v10 =	vmul.f32 v10, v3;
	v19 =	vld [tilespmem:s29+$0x170]  }
.Ltmp1:
0xcb: {  	v11 =	vor.u32 v2, v11;
	v4 =	vbroadcast v12, $0x0;
	[tilespmem:s29+$0x110] =	vst v7;
	v8 =	vmul.f32 v8, v3;
	v6 =	vld [tilespmem:s29+$0x180];
	(pc) =	sbr.rel @p0 .LBB2_6-.Ltmp1, $4  }
0xcc: {  	v20 =	vor.u32 v2, v14;
	v12 =	vor.u32 v2, v13;
	[tilespmem:s29+$0x120] =	vst v10;
	v13 =	vmul.f32 v5, v3;
	v7 =	vld [tilespmem:s29+$0x190]  }
0xcd: {  	v14 =	vor.u32 v2, v15;
	v5 =	vbroadcast v11, $0x0;
	[tilespmem:s29+$0x130] =	vst v8;
	v11 =	vmul.f32 v9, v3;
	v8 =	vld [tilespmem:s29+$0x1A0]  }
0xce: {  	v15 =	vor.u32 v2, v17;
	v10 =	vbroadcast v12, $0x0;
	[tilespmem:s29+$0x140] =	vst v13;
	v13 =	vmul.f32 v16, v3;
	v9 =	vld [tilespmem:s29+$0x1B0]  }
0xcf: {  	s0 =	sadd.s32 $0x7, s31;
	s31 =	sadd.s32 $0x8, s31;
	v12 =	vbroadcast v20, $0x0;
	v16 =	vor.u32 v2, v18;
	[tilespmem:s29+$0x150] =	vst v11;
	v17 =	vmul.f32 v19, v3;
	v11 =	vld [tilespmem:s29+$0x1C0]  }
0xd0: {  	_ =	sdelay $0x1  }
0xd1: {  	v18 =	vld [tilespmem:s29+$0x1D0]  }
0xd2: {  	v19 =	vld [tilespmem:s29+$0x1E0]  }
0xd3: {  	v3 =	vbroadcast v14, $0x0;
	v14 =	vmov s0;
	v20 =	vld.idx.msk [tilespmem:v5+s19+$0x0], $0xffff  }
0xd4: {  	v10 =	vld.idx.msk [tilespmem:v10+s19+$0x0], $0xffff;
	v14 =	vand.u32 $0x7F, v14  }
0xd5: {  	s31 =	sadd.s32 $0x400, s29;
	v12 =	vld.idx.msk [tilespmem:v12+s19+$0x0], $0xffff;
	v2 =	vor.u32 v2, v14  }
0xd6: {  	[tilespmem:s29+$0x160] =	vst v13;
	v6 =	vmul.f32 v6, v1;
	v13 =	vld [tilespmem:s31+$0xFFFFFE20];
	v2 =	vbroadcast v2, $0x0  }
0xd7: {  	v15 =	vbroadcast v15, $0x0;
	v7 =	vmul.f32 v7, v1;
	v14 =	vld.idx.msk [tilespmem:v4+s19+$0x0], $0xffff  }
0xd8: {  	v16 =	vbroadcast v16, $0x0;
	[tilespmem:s29+$0x180] =	vst v6;
	v6 =	vmul.f32 v8, v1;
	v8 =	vld [tilespmem:s31+$0x1F0]  }
0xd9: {  	[tilespmem:s29+$0x190] =	vst v7;
	v7 =	vmul.f32 v9, v1;
	v9 =	vld [tilespmem:s31+$0xFFFFFE00]  }
0xda: {  	[tilespmem:s29+$0x1A0] =	vst v6;
	v6 =	vmul.f32 v11, v1;
	v11 =	vld [tilespmem:s31+$0xFFFFFE10]  }
0xdb: {  	v5 =	vld.idx.msk [tilespmem:v3+s19+$0x0], $0xffff  }
0xdc: {  	v2 =	vld.idx.msk [tilespmem:v2+s19+$0x0], $0xffff  }
0xdd: {  	[tilespmem:s29+$0x1B0] =	vst v7;
	v7 =	vmul.f32 v18, v1;
	v4 =	vld.idx.msk [tilespmem:v15+s19+$0x0], $0xffff  }
0xde: {  	v1 =	vmul.f32 v19, v1;
	v3 =	vld.idx.msk [tilespmem:v16+s19+$0x0], $0xffff;
	[tilespmem:s29+$0x1C0] =	vst v6  }
0xdf: {  	v6 =	vld [tilespmem:s31+$0xFFFFFE30];
	[tilespmem:s29+$0x1D0] =	vst v7  }
0xe0: {  	v7 =	vld [tilespmem:s31+$0xFFFFFE40];
	[tilespmem:s29+$0x1E0] =	vst v1;
	v1 =	vmul.f32 v9, v14  }
0xe1: {  	[tilespmem:s29+$0x170] =	vst v17;
	v9 =	vld [tilespmem:s31+$0xFFFFFE50];
	v8 =	vmul.f32 v8, v2  }
0xe2: {  	v15 =	vld [tilespmem:s31+$0xFFFFFE60];
	v11 =	vmul.f32 v11, v14;
	[tilespmem:s31+$0xFFFFFE00] =	vst v1  }
0xe3: {  	v1 =	vmul.f32 v13, v14;
	[tilespmem:s31+$0x1F0] =	vst v8;
	v8 =	vld [tilespmem:s31+$0xFFFFFE70]  }
0xe4: {  	[tilespmem:s31+$0xFFFFFE10] =	vst v11;
	v6 =	vmul.f32 v6, v14;
	v11 =	vld [tilespmem:s31+$0xFFFFFE80]  }
0xe5: {  	[tilespmem:s31+$0xFFFFFE20] =	vst v1;
	v1 =	vmul.f32 v7, v14;
	v7 =	vld [tilespmem:s31+$0xFFFFFE90]  }
0xe6: {  	[tilespmem:s31+$0xFFFFFE30] =	vst v6;
	v6 =	vmul.f32 v9, v14;
	v9 =	vld [tilespmem:s31+$0xFFFFFEA0]  }
0xe7: {  	v13 =	vld [tilespmem:s31+$0xFFFFFEB0];
	[tilespmem:s31+$0xFFFFFE40] =	vst v1;
	v1 =	vmul.f32 v15, v14  }
0xe8: {  	[tilespmem:s31+$0xFFFFFE50] =	vst v6;
	v6 =	vmul.f32 v8, v14;
	v8 =	vld [tilespmem:s31+$0xFFFFFEC0]  }
0xe9: {  	[tilespmem:s31+$0xFFFFFE60] =	vst v1;
	v1 =	vmul.f32 v11, v20;
	v11 =	vld [tilespmem:s31+$0xFFFFFED0]  }
0xea: {  	[tilespmem:s31+$0xFFFFFE70] =	vst v6;
	v6 =	vmul.f32 v7, v20;
	v7 =	vld [tilespmem:s31+$0xFFFFFEE0]  }
0xeb: {  	[tilespmem:s31+$0xFFFFFE80] =	vst v1;
	v1 =	vmul.f32 v9, v20;
	v9 =	vld [tilespmem:s31+$0xFFFFFEF0]  }
0xec: {  	[tilespmem:s31+$0xFFFFFE90] =	vst v6;
	v6 =	vmul.f32 v13, v20;
	v13 =	vld [tilespmem:s31+$0xFFFFFF00]  }
0xed: {  	[tilespmem:s31+$0xFFFFFEA0] =	vst v1;
	v1 =	vmul.f32 v8, v20;
	v8 =	vld [tilespmem:s31+$0xFFFFFF10]  }
0xee: {  	[tilespmem:s31+$0xFFFFFEB0] =	vst v6;
	v6 =	vmul.f32 v11, v20;
	v11 =	vld [tilespmem:s31+$0xFFFFFF20]  }
0xef: {  	[tilespmem:s31+$0xFFFFFEC0] =	vst v1;
	v1 =	vmul.f32 v7, v20;
	v7 =	vld [tilespmem:s31+$0xFFFFFF30]  }
0xf0: {  	[tilespmem:s31+$0xFFFFFED0] =	vst v6;
	v6 =	vmul.f32 v9, v20;
	v9 =	vld [tilespmem:s31+$0xFFFFFF40]  }
0xf1: {  	[tilespmem:s31+$0xFFFFFEE0] =	vst v1;
	v1 =	vmul.f32 v13, v10;
	v13 =	vld [tilespmem:s31+$0xFFFFFF50]  }
0xf2: {  	[tilespmem:s31+$0xFFFFFEF0] =	vst v6;
	v6 =	vmul.f32 v8, v10;
	v8 =	vld [tilespmem:s31+$0xFFFFFF60]  }
0xf3: {  	[tilespmem:s31+$0xFFFFFF00] =	vst v1;
	v1 =	vmul.f32 v11, v10;
	v11 =	vld [tilespmem:s31+$0xFFFFFF70]  }
0xf4: {  	[tilespmem:s31+$0xFFFFFF10] =	vst v6;
	v6 =	vmul.f32 v7, v10;
	v7 =	vld [tilespmem:s31+$0xFFFFFF80]  }
0xf5: {  	[tilespmem:s31+$0xFFFFFF20] =	vst v1;
	v1 =	vmul.f32 v9, v10;
	v9 =	vld [tilespmem:s31+$0xFFFFFF90]  }
0xf6: {  	[tilespmem:s31+$0xFFFFFF30] =	vst v6;
	v6 =	vmul.f32 v13, v10;
	v13 =	vld [tilespmem:s31+$0xFFFFFFA0]  }
0xf7: {  	[tilespmem:s31+$0xFFFFFF40] =	vst v1;
	v1 =	vmul.f32 v8, v10;
	v8 =	vld [tilespmem:s31+$0xFFFFFFB0]  }
0xf8: {  	[tilespmem:s31+$0xFFFFFF50] =	vst v6;
	v6 =	vmul.f32 v11, v10;
	v10 =	vld [tilespmem:s31+$0xFFFFFFC0]  }
0xf9: {  	[tilespmem:s31+$0xFFFFFF60] =	vst v1;
	v1 =	vmul.f32 v7, v12;
	v7 =	vld [tilespmem:s31+$0xFFFFFFD0]  }
0xfa: {  	[tilespmem:s31+$0xFFFFFF70] =	vst v6;
	v6 =	vmul.f32 v9, v12;
	v9 =	vld [tilespmem:s31+$0xFFFFFFE0]  }
0xfb: {  	v11 =	vld [tilespmem:s31+$0xFFFFFFF0];
	[tilespmem:s31+$0xFFFFFF80] =	vst v1;
	v1 =	vmul.f32 v13, v12  }
0xfc: {  	[tilespmem:s31+$0xFFFFFF90] =	vst v6;
	v6 =	vmul.f32 v8, v12;
	v8 =	vld [tilespmem:s31+$0x0]  }
0xfd: {  	[tilespmem:s31+$0xFFFFFFA0] =	vst v1;
	v1 =	vmul.f32 v10, v12;
	v10 =	vld [tilespmem:s31+$0x10]  }
0xfe: {  	[tilespmem:s31+$0xFFFFFFB0] =	vst v6;
	v6 =	vmul.f32 v7, v12;
	v7 =	vld [tilespmem:s31+$0x20]  }
0xff: {  	[tilespmem:s31+$0xFFFFFFC0] =	vst v1;
	v1 =	vmul.f32 v9, v12;
	v9 =	vld [tilespmem:s31+$0x30]  }
0x100: {  	[tilespmem:s31+$0xFFFFFFD0] =	vst v6;
	v6 =	vmul.f32 v11, v12;
	v11 =	vld [tilespmem:s31+$0x40]  }
0x101: {  	[tilespmem:s31+$0xFFFFFFE0] =	vst v1;
	v1 =	vmul.f32 v8, v5;
	v8 =	vld [tilespmem:s31+$0x50]  }
0x102: {  	[tilespmem:s31+$0xFFFFFFF0] =	vst v6;
	v6 =	vmul.f32 v10, v5;
	v10 =	vld [tilespmem:s31+$0x60]  }
0x103: {  	[tilespmem:s31+$0x0] =	vst v1;
	v1 =	vmul.f32 v7, v5;
	v7 =	vld [tilespmem:s31+$0x70]  }
0x104: {  	[tilespmem:s31+$0x10] =	vst v6;
	v6 =	vmul.f32 v9, v5;
	v9 =	vld [tilespmem:s31+$0x80]  }
0x105: {  	[tilespmem:s31+$0x20] =	vst v1;
	v1 =	vmul.f32 v11, v5;
	v11 =	vld [tilespmem:s31+$0x90]  }
0x106: {  	[tilespmem:s31+$0x30] =	vst v6;
	v6 =	vmul.f32 v8, v5;
	v8 =	vld [tilespmem:s31+$0xA0]  }
0x107: {  	[tilespmem:s31+$0x40] =	vst v1;
	v1 =	vmul.f32 v10, v5;
	v10 =	vld [tilespmem:s31+$0xB0]  }
0x108: {  	[tilespmem:s31+$0x50] =	vst v6;
	v5 =	vmul.f32 v7, v5;
	v6 =	vld [tilespmem:s31+$0xC0]  }
0x109: {  	v7 =	vld [tilespmem:s31+$0xD0];
	[tilespmem:s31+$0x60] =	vst v1;
	v1 =	vmul.f32 v9, v4  }
0x10a: {  	v9 =	vld [tilespmem:s31+$0xE0];
	[tilespmem:s31+$0x70] =	vst v5;
	v5 =	vmul.f32 v11, v4  }
0x10b: {  	[tilespmem:s31+$0x80] =	vst v1;
	v1 =	vmul.f32 v8, v4;
	v8 =	vld [tilespmem:s31+$0xF0]  }
0x10c: {  	[tilespmem:s31+$0x90] =	vst v5;
	v5 =	vmul.f32 v10, v4;
	v10 =	vld [tilespmem:s31+$0x100]  }
0x10d: {  	[tilespmem:s31+$0xA0] =	vst v1;
	v1 =	vmul.f32 v6, v4;
	v6 =	vld [tilespmem:s31+$0x110]  }
0x10e: {  	[tilespmem:s31+$0xB0] =	vst v5;
	v5 =	vmul.f32 v7, v4;
	v7 =	vld [tilespmem:s31+$0x120]  }
0x10f: {  	[tilespmem:s31+$0xC0] =	vst v1;
	v1 =	vmul.f32 v9, v4;
	v9 =	vld [tilespmem:s31+$0x130]  }
0x110: {  	[tilespmem:s31+$0xD0] =	vst v5;
	v4 =	vmul.f32 v8, v4;
	v5 =	vld [tilespmem:s31+$0x140]  }
0x111: {  	v8 =	vld [tilespmem:s31+$0x150];
	[tilespmem:s31+$0xE0] =	vst v1;
	v1 =	vmul.f32 v10, v3  }
0x112: {  	[tilespmem:s31+$0xF0] =	vst v4;
	v4 =	vmul.f32 v6, v3;
	v6 =	vld [tilespmem:s31+$0x160]  }
0x113: {  	[tilespmem:s31+$0x100] =	vst v1;
	v1 =	vmul.f32 v7, v3;
	v7 =	vld [tilespmem:s31+$0x170]  }
0x114: {  	[tilespmem:s31+$0x110] =	vst v4;
	v4 =	vmul.f32 v9, v3;
	v9 =	vld [tilespmem:s31+$0x180]  }
0x115: {  	[tilespmem:s31+$0x120] =	vst v1;
	v1 =	vmul.f32 v5, v3;
	v5 =	vld [tilespmem:s31+$0x190]  }
0x116: {  	[tilespmem:s31+$0x130] =	vst v4;
	v4 =	vmul.f32 v8, v3;
	v8 =	vld [tilespmem:s31+$0x1A0]  }
0x117: {  	[tilespmem:s31+$0x140] =	vst v1;
	v1 =	vmul.f32 v6, v3;
	v6 =	vld [tilespmem:s31+$0x1B0]  }
0x118: {  	[tilespmem:s31+$0x150] =	vst v4;
	v3 =	vmul.f32 v7, v3;
	v4 =	vld [tilespmem:s31+$0x1C0]  }
0x119: {  	v7 =	vld [tilespmem:s31+$0x1D0];
	[tilespmem:s31+$0x160] =	vst v1;
	v1 =	vmul.f32 v9, v2  }
0x11a: {  	[tilespmem:s31+$0x170] =	vst v3;
	v3 =	vmul.f32 v5, v2;
	v5 =	vld [tilespmem:s31+$0x1E0]  }
0x11b: {  	[tilespmem:s31+$0x180] =	vst v1;
	v1 =	vmul.f32 v8, v2  }
0x11c: {  	[tilespmem:s31+$0x190] =	vst v3;
	v3 =	vmul.f32 v6, v2  }
0x11d: {  	[tilespmem:s31+$0x1A0] =	vst v1;
	v1 =	vmul.f32 v4, v2  }
0x11e: {  	[tilespmem:s31+$0x1B0] =	vst v3;
	v3 =	vmul.f32 v7, v2  }
0x11f: {  	s1 =	sand.u32 $0x3FFFFF00, s28;
	[tilespmem:s31+$0x1C0] =	vst v1;
	v1 =	vmul.f32 v5, v2  }
0x120: {  	s28 =	sor.u32 s25, s30;
	s0 =	sadd.s32 $0x2800, s1;
	s1 =	simm.s32 $0x0;
	[tilespmem:s31+$0x1D0] =	vst v3  }
0x121: {  	p0 =	sgt.u32 s28, $0x4D;
	v2 =	vmov s1;
	s1 =	simm.s32 $0x1;
	[tilespmem:s31+$0x1E0] =	vst v1  }
0x122: {  	[spmem:s2] =	stream.indirect.scatter.add.f32 [tilespmem:s16], [sflag:$0x3], $0x80, s0, s15, $0xb8;
	[tilespmem:$0x1F800] =	vst v63  }
0x123: {  	v3 =	vmov s1;
	s1 =	sshll.u32 @!p0 s28, $0x7;
	s0 =	sor.u32 $0x1, s30  }
0x124: {  	s29 =	sshll.u32 s0, $0x7;
	_ =	swait.ge [sflag:s14], $0x4000;
	s0 =	simm.s32 $0x7  }
0x125: {  	s30 =	simm.s32 @!p0 $0x3800;
	[sflag:s14] =	ssyncset.done $0x0;
	v4 =	vmov s0;
	s0 =	sand.u32 @!p0 $0x3FFFFF80, s1  }
0x126: {  	s1 =	simm.s32 @!p0 $0x80;
	[sflag:s14] =	ssyncadd.s32 $0xFFFFC000;
	s0 =	sadd.s32 @!p0 $0x100, s0  }
0x127: {  	[tilespmem:s30], [sflag:$0x1] =	stream.indirect.gather @!p0 [hbm4b:s4+s1], $0x80, s0, s1, $0xb8;
	[tilespmem:$0x1F800] =	vst v63  }
0x128: {  	_ =	swait.ge [sflag:s21], $0x4000  }
0x129: {  	[sflag:s21] =	ssyncset.done $0x0  }
0x12a: {  	s30 =	simm.s32 $0x7A00;
	[sflag:s21] =	ssyncadd.s32 $0xFFFFC000  }
0x12b: {  	v2 =	vand.u32 $0x78, v2;
	v1 =	vmov s29;
	v6 =	vld [tilespmem:s30+$0xFFFFFE10]  }
0x12c: {  	v2 =	vor.u32 v1, v2;
	v4 =	vand.u32 $0x7F, v4;
	v7 =	vld [tilespmem:s30+$0xFFFFFE20]  }
0x12d: {  	v2 =	vbroadcast v2, $0x0;
	v4 =	vor.u32 v1, v4;
	v8 =	vld [tilespmem:s30+$0xFFFFFE30]  }
0x12e: {  	v4 =	vbroadcast v4, $0x0;
	v9 =	vld [tilespmem:s30+$0xFFFFFE40]  }
0x12f: {  	v10 =	vld [tilespmem:s30+$0xFFFFFE50]  }
0x130: {  	v11 =	vld [tilespmem:s30+$0xFFFFFE60]  }
0x131: {  	v3 =	vand.u32 $0x79, v3;
	v13 =	vld [tilespmem:s30+$0x1F0]  }
0x132: {  	v3 =	vor.u32 v1, v3;
	v14 =	vld [tilespmem:s30+$0xFFFFFE80]  }
0x133: {  	v3 =	vbroadcast v3, $0x0;
	v5 =	vld.idx.msk [tilespmem:v2+s19+$0x0], $0xffff  }
0x134: {  	v2 =	vld.idx.msk [tilespmem:v4+s19+$0x0], $0xffff  }
0x135: {  	v4 =	vld [tilespmem:s30+$0xFFFFFE00]  }
0x136: {  	v15 =	vld [tilespmem:s30+$0xFFFFFE90]  }
0x137: {  	v16 =	vld [tilespmem:s30+$0xFFFFFEA0]  }
0x138: {  	v17 =	vld [tilespmem:s30+$0xFFFFFEB0];
	v6 =	vmul.f32 v6, v5  }
0x139: {  	v3 =	vld.idx.msk [tilespmem:v3+s19+$0x0], $0xffff;
	v7 =	vmul.f32 v7, v5  }
0x13a: {  	s1 =	simm.s32 $0x2;
	v18 =	vld [tilespmem:s30+$0xFFFFFEC0];
	v4 =	vmul.f32 v4, v5;
	[tilespmem:s30+$0xFFFFFE10] =	vst v6  }
0x13b: {  	v12 =	vmov s1;
	v8 =	vmul.f32 v8, v5;
	v6 =	vld [tilespmem:s30+$0xFFFFFEE0];
	[tilespmem:s30+$0xFFFFFE20] =	vst v7  }
0x13c: {  	v13 =	vmul.f32 v13, v2;
	v7 =	vmul.f32 v9, v5;
	v9 =	vld [tilespmem:s30+$0xFFFFFEF0];
	[tilespmem:s30+$0xFFFFFE00] =	vst v4;
	v4 =	vand.u32 $0x7A, v12  }
0x13d: {  	[tilespmem:s30+$0xFFFFFE30] =	vst v8;
	v8 =	vmul.f32 v10, v5;
	v12 =	vld [tilespmem:s30+$0xFFFFFE70];
	v4 =	vor.u32 v1, v4  }
0x13e: {  	v10 =	vld [tilespmem:s30+$0xFFFFFF00];
	[tilespmem:s30+$0x1F0] =	vst v13;
	v13 =	vmul.f32 v14, v3;
	v4 =	vbroadcast v4, $0x0  }
0x13f: {  	s1 =	simm.s32 $0x3;
	v14 =	vld [tilespmem:s30+$0xFFFFFED0];
	[tilespmem:s30+$0xFFFFFE40] =	vst v7  }
0x140: {  	v7 =	vmul.f32 v11, v5;
	v11 =	vld [tilespmem:s30+$0xFFFFFF10];
	[tilespmem:s30+$0xFFFFFE80] =	vst v13;
	v13 =	vmov s1  }
0x141: {  	v18 =	vmul.f32 v18, v3;
	[tilespmem:s30+$0xFFFFFE50] =	vst v8;
	v8 =	vld [tilespmem:s30+$0xFFFFFF20];
	v13 =	vand.u32 $0x7B, v13  }
0x142: {  	[tilespmem:s30+$0xFFFFFE60] =	vst v7;
	v7 =	vmul.f32 v15, v3;
	v15 =	vld [tilespmem:s30+$0xFFFFFF40];
	v13 =	vor.u32 v1, v13;
	v5 =	vmul.f32 v12, v5  }
0x143: {  	v6 =	vmul.f32 v6, v3;
	v13 =	vbroadcast v13, $0x0;
	v12 =	vld [tilespmem:s30+$0xFFFFFF30]  }
0x144: {  	v14 =	vmul.f32 v14, v3;
	[tilespmem:s30+$0xFFFFFE70] =	vst v5;
	v5 =	vmul.f32 v16, v3;
	v4 =	vld.idx.msk [tilespmem:v4+s19+$0x0], $0xffff  }
0x145: {  	[tilespmem:s30+$0xFFFFFE90] =	vst v7;
	v16 =	vmul.f32 v17, v3;
	v3 =	vmul.f32 v9, v3;
	v9 =	vld [tilespmem:s30+$0xFFFFFF90]  }
0x146: {  	[tilespmem:s30+$0xFFFFFED0] =	vst v14;
	v14 =	vld [tilespmem:s30+$0xFFFFFFD0]  }
0x147: {  	[tilespmem:s30+$0xFFFFFEA0] =	vst v5;
	v5 =	vld [tilespmem:s30+$0xFFFFFF60]  }
0x148: {  	[tilespmem:s30+$0xFFFFFEB0] =	vst v16;
	v16 =	vld [tilespmem:s30+$0xFFFFFF70]  }
0x149: {  	[tilespmem:s30+$0xFFFFFEE0] =	vst v6;
	v13 =	vld.idx.msk [tilespmem:v13+s19+$0x0], $0xffff;
	v7 =	vmul.f32 v10, v4  }
0x14a: {  	s1 =	simm.s32 $0x4;
	[tilespmem:s30+$0xFFFFFEF0] =	vst v3;
	v10 =	vld [tilespmem:s30+$0xFFFFFF50];
	v6 =	vmul.f32 v11, v4  }
0x14b: {  	v17 =	vmov s1;
	v11 =	vld [tilespmem:s30+$0xFFFFFFA0];
	v3 =	vmul.f32 v8, v4;
	[tilespmem:s30+$0xFFFFFF00] =	vst v7  }
0x14c: {  	v15 =	vmul.f32 v15, v4;
	v7 =	vand.u32 $0x7C, v17;
	v17 =	vld [tilespmem:s30+$0xFFFFFF80];
	[tilespmem:s30+$0xFFFFFF10] =	vst v6  }
0x14d: {  	v8 =	vld [tilespmem:s30+$0xFFFFFFB0];
	v5 =	vmul.f32 v5, v4;
	[tilespmem:s30+$0xFFFFFF20] =	vst v3;
	v7 =	vor.u32 v1, v7  }
0x14e: {  	v6 =	vmul.f32 v12, v4;
	v12 =	vld [tilespmem:s30+$0xFFFFFFC0];
	[tilespmem:s30+$0xFFFFFF40] =	vst v15;
	v7 =	vbroadcast v7, $0x0  }
0x14f: {  	v15 =	vld [tilespmem:s30+$0xFFFFFFF0];
	[tilespmem:s30+$0xFFFFFF60] =	vst v5;
	v5 =	vmul.f32 v9, v13  }
0x150: {  	v9 =	vld [tilespmem:s30+$0x10];
	[tilespmem:s30+$0xFFFFFF30] =	vst v6;
	v10 =	vmul.f32 v10, v4  }
0x151: {  	s1 =	simm.s32 $0x5;
	v6 =	vld [tilespmem:s30+$0xFFFFFFE0];
	[tilespmem:s30+$0xFFFFFF90] =	vst v5;
	v3 =	vmul.f32 v17, v13  }
0x152: {  	v4 =	vmul.f32 v16, v4;
	v5 =	vmul.f32 v8, v13;
	v8 =	vld [tilespmem:s30+$0x30];
	v17 =	vmov s1;
	[tilespmem:s30+$0xFFFFFF50] =	vst v10  }
0x153: {  	v14 =	vmul.f32 v14, v13;
	v10 =	vld [tilespmem:s30+$0x0];
	[tilespmem:s30+$0xFFFFFF80] =	vst v3;
	v3 =	vand.u32 $0x7D, v17  }
0x154: {  	[tilespmem:s30+$0xFFFFFF70] =	vst v4;
	v4 =	vmul.f32 v11, v13;
	v7 =	vld.idx.msk [tilespmem:v7+s19+$0x0], $0xffff;
	v3 =	vor.u32 v1, v3  }
0x155: {  	[tilespmem:s30+$0xFFFFFFD0] =	vst v14;
	v14 =	vld [tilespmem:s30+$0x70];
	v3 =	vbroadcast v3, $0x0  }
0x156: {  	v11 =	vld [tilespmem:s30+$0x20];
	[tilespmem:s30+$0xFFFFFFA0] =	vst v4;
	v4 =	vmul.f32 v12, v13  }
0x157: {  	[tilespmem:s30+$0xFFFFFFB0] =	vst v5;
	v12 =	vld [tilespmem:s30+$0x40];
	v6 =	vmul.f32 v6, v13;
	v13 =	vmul.f32 v15, v13  }
0x158: {  	[tilespmem:s30+$0xFFFFFFC0] =	vst v4;
	v4 =	vld [tilespmem:s30+$0x60]  }
0x159: {  	s1 =	simm.s32 $0x6;
	[tilespmem:s30+$0xFFFFFFF0] =	vst v13;
	v13 =	vld [tilespmem:s30+$0x90];
	v5 =	vmul.f32 v10, v7  }
0x15a: {  	v16 =	vmov s1;
	[tilespmem:s30+$0xFFFFFFE0] =	vst v6;
	v10 =	vld [tilespmem:s30+$0x50];
	v6 =	vmul.f32 v9, v7  }
0x15b: {  	v11 =	vmul.f32 v11, v7;
	v3 =	vld.idx.msk [tilespmem:v3+s19+$0x0], $0xffff;
	[tilespmem:s30+$0x0] =	vst v5;
	v5 =	vand.u32 $0x7E, v16  }
0x15c: {  	v9 =	vld [tilespmem:s30+$0x80];
	[tilespmem:s30+$0x10] =	vst v6;
	v6 =	vmul.f32 v8, v7;
	v5 =	vor.u32 v1, v5  }
0x15d: {  	[tilespmem:s30+$0x20] =	vst v11;
	v11 =	vmul.f32 v12, v7;
	v12 =	vld [tilespmem:s30+$0xB0];
	v5 =	vbroadcast v5, $0x0  }
0x15e: {  	v4 =	vmul.f32 v4, v7;
	v8 =	vld [tilespmem:s30+$0xA0];
	[tilespmem:s30+$0x30] =	vst v6  }
0x15f: {  	[tilespmem:s30+$0x40] =	vst v11;
	v11 =	vld [tilespmem:s30+$0xD0];
	v6 =	vmul.f32 v10, v7  }
0x160: {  	[tilespmem:s30+$0x60] =	vst v4;
	v10 =	vld [tilespmem:s30+$0xC0];
	v4 =	vmul.f32 v13, v3  }
0x161: {  	[tilespmem:s30+$0x50] =	vst v6;
	v6 =	vld [tilespmem:s30+$0xE0]  }
0x162: {  	v9 =	vmul.f32 v9, v3;
	[tilespmem:s30+$0x90] =	vst v4;
	v4 =	vmul.f32 v12, v3;
	v12 =	vld [tilespmem:s30+$0x110]  }
0x163: {  	[tilespmem:s30+$0xFFFFFEC0] =	vst v18;
	v17 =	vld.idx.msk [tilespmem:v5+s19+$0x0], $0xffff;
	v5 =	vmul.f32 v14, v7  }
0x164: {  	s1 =	simm.s32 $0x8;
	[tilespmem:s30+$0x80] =	vst v9;
	v7 =	vld [tilespmem:s30+$0xF0]  }
0x165: {  	v9 =	vmov s1;
	s1 =	simm.s32 $0x9;
	[tilespmem:s30+$0x70] =	vst v5;
	v5 =	vmul.f32 v8, v3;
	v8 =	vld [tilespmem:s30+$0x100]  }
0x166: {  	s0 =	simm.s32 $0xA;
	v9 =	vand.u32 $0x78, v9;
	v13 =	vmov s1;
	s1 =	simm.s32 $0xB;
	[tilespmem:s30+$0xB0] =	vst v4;
	v4 =	vmul.f32 v11, v3  }
0x167: {  	v14 =	vmov s0;
	s0 =	simm.s32 $0xC;
	v15 =	vmov s1;
	s1 =	simm.s32 $0xD;
	[tilespmem:s30+$0xA0] =	vst v5;
	v5 =	vmul.f32 v10, v3;
	v10 =	vld [tilespmem:s30+$0x120]  }
0x168: {  	v11 =	vld [tilespmem:s30+$0x130];
	v16 =	vmov s0;
	v18 =	vmov s1;
	[tilespmem:s30+$0xD0] =	vst v4;
	v12 =	vmul.f32 v12, v17  }
0x169: {  	v19 =	vld [tilespmem:s30+$0x140];
	s1 =	simm.s32 $0xE;
	[tilespmem:s30+$0xC0] =	vst v5;
	v5 =	vmul.f32 v6, v3;
	v6 =	vor.u32 v1, v9;
	v3 =	vmul.f32 v7, v3  }
0x16a: {  	v7 =	vmov s1;
	v9 =	vand.u32 $0x79, v13;
	v4 =	vmul.f32 v8, v17;
	v8 =	vld [tilespmem:s30+$0x150];
	[tilespmem:s30+$0x110] =	vst v12  }
0x16b: {  	v63 =	vld [tilespmem:s30+$0x160];
	v13 =	vand.u32 $0x7A, v14;
	v14 =	vand.u32 $0x7C, v16;
	[tilespmem:s30+$0xE0] =	vst v5;
	v5 =	vand.u32 $0x7B, v15  }
0x16c: {  	[tilespmem:s30+$0xF0] =	vst v3;
	v3 =	vand.u32 $0x7D, v18;
	v15 =	vand.u32 $0x7E, v7;
	v18 =	vld [tilespmem:s30+$0x170];
	v7 =	vmul.f32 v10, v17  }
0x16d: {  	v9 =	vor.u32 v1, v9;
	[tilespmem:s30+$0x100] =	vst v4;
	v4 =	vbroadcast v6, $0x0;
	v10 =	vmul.f32 v11, v17;
	v6 =	vld [tilespmem:s30+$0x180]  }
0x16e: {  	v14 =	vor.u32 v1, v14;
	v11 =	vor.u32 v1, v13;
	v13 =	vmul.f32 v19, v17;
	[tilespmem:s30+$0x120] =	vst v7;
	v7 =	vld [tilespmem:s30+$0x190]  }
0x16f: {  	v12 =	vor.u32 v1, v5;
	v5 =	vbroadcast v9, $0x0;
	[tilespmem:s30+$0x130] =	vst v10;
	v19 =	vmul.f32 v8, v17;
	v8 =	vld [tilespmem:s30+$0x1A0]  }
0x170: {  	v16 =	vor.u32 v1, v3;
	v9 =	vld [tilespmem:s30+$0x1B0];
	v10 =	vbroadcast v11, $0x0;
	[tilespmem:s30+$0x140] =	vst v13;
	v13 =	vmul.f32 v63, v17  }
0x171: {  	s31 =	simm.s32 $0x10;
	s0 =	simm.s32 $0xF;
	v15 =	vor.u32 v1, v15;
	v12 =	vbroadcast v12, $0x0;
	v11 =	vld [tilespmem:s30+$0x1C0];
	v17 =	vmul.f32 v18, v17;
	[tilespmem:s30+$0x150] =	vst v19  }
.LBB2_8:
0x172: {  	p0 =	slt.u32 s31, $0x78;
	v3 =	vbroadcast v14, $0x0;
	v14 =	vmov s0;
	[tilespmem:s30+$0x160] =	vst v13;
	v6 =	vmul.f32 v6, v2;
	v13 =	vld [tilespmem:s30+$0x1D0]  }
0x173: {  	v16 =	vbroadcast v16, $0x0;
	v14 =	vand.u32 $0x7F, v14;
	[tilespmem:s30+$0x170] =	vst v17;
	v7 =	vmul.f32 v7, v2;
	v17 =	vld [tilespmem:s30+$0x1E0]  }
0x174: {  	v15 =	vbroadcast v15, $0x0;
	v18 =	vld.idx.msk [tilespmem:v4+s19+$0x0], $0xffff;
	v4 =	vor.u32 v1, v14;
	[tilespmem:s30+$0x180] =	vst v6;
	v6 =	vmul.f32 v8, v2  }
0x175: {  	v8 =	vld.idx.msk [tilespmem:v5+s19+$0x0], $0xffff;
	v14 =	vbroadcast v4, $0x0;
	[tilespmem:s30+$0x190] =	vst v7;
	v4 =	vmul.f32 v9, v2  }
0x176: {  	v7 =	vld.idx.msk [tilespmem:v10+s19+$0x0], $0xffff;
	[tilespmem:s30+$0x1A0] =	vst v6;
	v9 =	vmul.f32 v11, v2  }
0x177: {  	v6 =	vld.idx.msk [tilespmem:v12+s19+$0x0], $0xffff;
	[tilespmem:s30+$0x1B0] =	vst v4;
	v10 =	vmul.f32 v13, v2  }
0x178: {  	v5 =	vld.idx.msk [tilespmem:v3+s19+$0x0], $0xffff;
	[tilespmem:s30+$0x1C0] =	vst v9;
	v2 =	vmul.f32 v17, v2  }
0x179: {  	v4 =	vld.idx.msk [tilespmem:v16+s19+$0x0], $0xffff;
	[tilespmem:s30+$0x1D0] =	vst v10  }
0x17a: {  	v3 =	vld.idx.msk [tilespmem:v15+s19+$0x0], $0xffff;
	[tilespmem:s30+$0x1E0] =	vst v2  }
0x17b: {  	s30 =	sadd.s32 $0x400, s30;
	v2 =	vld.idx.msk [tilespmem:v14+s19+$0x0], $0xffff  }
0x17c: {  	v9 =	vld [tilespmem:s30+$0x1F0]  }
0x17d: {  	v10 =	vld [tilespmem:s30+$0xFFFFFE00]  }
0x17e: {  	v11 =	vld [tilespmem:s30+$0xFFFFFE10]  }
0x17f: {  	v12 =	vld [tilespmem:s30+$0xFFFFFE20]  }
0x180: {  	v13 =	vld [tilespmem:s30+$0xFFFFFE30]  }
0x181: {  	v14 =	vld [tilespmem:s30+$0xFFFFFE40];
	v9 =	vmul.f32 v9, v2  }
0x182: {  	v10 =	vmul.f32 v10, v18;
	v15 =	vld [tilespmem:s30+$0xFFFFFE50]  }
0x183: {  	v11 =	vmul.f32 v11, v18;
	v16 =	vld [tilespmem:s30+$0xFFFFFE60];
	[tilespmem:s30+$0x1F0] =	vst v9  }
0x184: {  	[tilespmem:s30+$0xFFFFFE00] =	vst v10;
	v9 =	vmul.f32 v12, v18;
	v10 =	vld [tilespmem:s30+$0xFFFFFE70]  }
0x185: {  	[tilespmem:s30+$0xFFFFFE10] =	vst v11;
	v11 =	vmul.f32 v13, v18;
	v12 =	vld [tilespmem:s30+$0xFFFFFE80]  }
0x186: {  	[tilespmem:s30+$0xFFFFFE20] =	vst v9;
	v9 =	vmul.f32 v14, v18;
	v13 =	vld [tilespmem:s30+$0xFFFFFE90]  }
0x187: {  	[tilespmem:s30+$0xFFFFFE30] =	vst v11;
	v11 =	vmul.f32 v15, v18;
	v14 =	vld [tilespmem:s30+$0xFFFFFEA0]  }
0x188: {  	[tilespmem:s30+$0xFFFFFE40] =	vst v9;
	v9 =	vmul.f32 v16, v18;
	v15 =	vld [tilespmem:s30+$0xFFFFFEB0]  }
0x189: {  	[tilespmem:s30+$0xFFFFFE50] =	vst v11;
	v10 =	vmul.f32 v10, v18;
	v11 =	vld [tilespmem:s30+$0xFFFFFEC0]  }
0x18a: {  	[tilespmem:s30+$0xFFFFFE60] =	vst v9;
	v9 =	vmul.f32 v12, v8;
	v12 =	vld [tilespmem:s30+$0xFFFFFED0]  }
0x18b: {  	[tilespmem:s30+$0xFFFFFE70] =	vst v10;
	v10 =	vmul.f32 v13, v8;
	v13 =	vld [tilespmem:s30+$0xFFFFFEE0]  }
0x18c: {  	[tilespmem:s30+$0xFFFFFE80] =	vst v9;
	v9 =	vmul.f32 v14, v8;
	v14 =	vld [tilespmem:s30+$0xFFFFFEF0]  }
0x18d: {  	[tilespmem:s30+$0xFFFFFE90] =	vst v10;
	v10 =	vmul.f32 v15, v8;
	v15 =	vld [tilespmem:s30+$0xFFFFFF00]  }
0x18e: {  	[tilespmem:s30+$0xFFFFFEA0] =	vst v9;
	v9 =	vmul.f32 v11, v8;
	v11 =	vld [tilespmem:s30+$0xFFFFFF10]  }
0x18f: {  	[tilespmem:s30+$0xFFFFFEB0] =	vst v10;
	v10 =	vmul.f32 v12, v8;
	v12 =	vld [tilespmem:s30+$0xFFFFFF20]  }
0x190: {  	[tilespmem:s30+$0xFFFFFEC0] =	vst v9;
	v9 =	vmul.f32 v13, v8;
	v13 =	vld [tilespmem:s30+$0xFFFFFF30]  }
0x191: {  	[tilespmem:s30+$0xFFFFFED0] =	vst v10;
	v8 =	vmul.f32 v14, v8;
	v10 =	vld [tilespmem:s30+$0xFFFFFF40]  }
0x192: {  	[tilespmem:s30+$0xFFFFFEE0] =	vst v9;
	v9 =	vmul.f32 v15, v7;
	v14 =	vld [tilespmem:s30+$0xFFFFFF50]  }
0x193: {  	[tilespmem:s30+$0xFFFFFEF0] =	vst v8;
	v8 =	vmul.f32 v11, v7;
	v11 =	vld [tilespmem:s30+$0xFFFFFF60]  }
0x194: {  	[tilespmem:s30+$0xFFFFFF00] =	vst v9;
	v9 =	vmul.f32 v12, v7;
	v12 =	vld [tilespmem:s30+$0xFFFFFF70]  }
0x195: {  	[tilespmem:s30+$0xFFFFFF10] =	vst v8;
	v8 =	vmul.f32 v13, v7;
	v13 =	vld [tilespmem:s30+$0xFFFFFF80]  }
0x196: {  	[tilespmem:s30+$0xFFFFFF20] =	vst v9;
	v9 =	vmul.f32 v10, v7;
	v10 =	vld [tilespmem:s30+$0xFFFFFF90]  }
0x197: {  	[tilespmem:s30+$0xFFFFFF30] =	vst v8;
	v8 =	vmul.f32 v14, v7;
	v14 =	vld [tilespmem:s30+$0xFFFFFFA0]  }
0x198: {  	[tilespmem:s30+$0xFFFFFF40] =	vst v9;
	v9 =	vmul.f32 v11, v7;
	v11 =	vld [tilespmem:s30+$0xFFFFFFB0]  }
0x199: {  	[tilespmem:s30+$0xFFFFFF50] =	vst v8;
	v7 =	vmul.f32 v12, v7;
	v8 =	vld [tilespmem:s30+$0xFFFFFFC0]  }
0x19a: {  	[tilespmem:s30+$0xFFFFFF60] =	vst v9;
	v9 =	vmul.f32 v13, v6;
	v12 =	vld [tilespmem:s30+$0xFFFFFFD0]  }
0x19b: {  	[tilespmem:s30+$0xFFFFFF70] =	vst v7;
	v7 =	vmul.f32 v10, v6;
	v10 =	vld [tilespmem:s30+$0xFFFFFFE0]  }
0x19c: {  	[tilespmem:s30+$0xFFFFFF80] =	vst v9;
	v9 =	vmul.f32 v14, v6;
	v13 =	vld [tilespmem:s30+$0xFFFFFFF0]  }
0x19d: {  	[tilespmem:s30+$0xFFFFFF90] =	vst v7;
	v7 =	vmul.f32 v11, v6;
	v11 =	vld [tilespmem:s30+$0x0]  }
0x19e: {  	[tilespmem:s30+$0xFFFFFFA0] =	vst v9;
	v8 =	vmul.f32 v8, v6;
	v9 =	vld [tilespmem:s30+$0x10]  }
0x19f: {  	[tilespmem:s30+$0xFFFFFFB0] =	vst v7;
	v7 =	vmul.f32 v12, v6;
	v12 =	vld [tilespmem:s30+$0x20]  }
0x1a0: {  	[tilespmem:s30+$0xFFFFFFC0] =	vst v8;
	v8 =	vmul.f32 v10, v6;
	v10 =	vld [tilespmem:s30+$0x30]  }
0x1a1: {  	[tilespmem:s30+$0xFFFFFFD0] =	vst v7;
	v6 =	vmul.f32 v13, v6;
	v7 =	vld [tilespmem:s30+$0x40]  }
0x1a2: {  	[tilespmem:s30+$0xFFFFFFE0] =	vst v8;
	v8 =	vmul.f32 v11, v5;
	v11 =	vld [tilespmem:s30+$0x50]  }
0x1a3: {  	[tilespmem:s30+$0xFFFFFFF0] =	vst v6;
	v6 =	vmul.f32 v9, v5;
	v9 =	vld [tilespmem:s30+$0x60]  }
0x1a4: {  	[tilespmem:s30+$0x0] =	vst v8;
	v8 =	vmul.f32 v12, v5;
	v12 =	vld [tilespmem:s30+$0x70]  }
0x1a5: {  	[tilespmem:s30+$0x10] =	vst v6;
	v6 =	vmul.f32 v10, v5;
	v10 =	vld [tilespmem:s30+$0x80]  }
0x1a6: {  	[tilespmem:s30+$0x20] =	vst v8;
	v7 =	vmul.f32 v7, v5;
	v8 =	vld [tilespmem:s30+$0x90]  }
0x1a7: {  	[tilespmem:s30+$0x30] =	vst v6;
	v6 =	vmul.f32 v11, v5;
	v11 =	vld [tilespmem:s30+$0xA0]  }
0x1a8: {  	[tilespmem:s30+$0x40] =	vst v7;
	v7 =	vmul.f32 v9, v5;
	v9 =	vld [tilespmem:s30+$0xB0]  }
0x1a9: {  	[tilespmem:s30+$0x50] =	vst v6;
	v5 =	vmul.f32 v12, v5;
	v6 =	vld [tilespmem:s30+$0xC0]  }
0x1aa: {  	[tilespmem:s30+$0x60] =	vst v7;
	v7 =	vmul.f32 v10, v4;
	v10 =	vld [tilespmem:s30+$0xD0]  }
0x1ab: {  	[tilespmem:s30+$0x70] =	vst v5;
	v5 =	vmul.f32 v8, v4;
	v8 =	vld [tilespmem:s30+$0xE0]  }
0x1ac: {  	[tilespmem:s30+$0x80] =	vst v7;
	v7 =	vmul.f32 v11, v4;
	v11 =	vld [tilespmem:s30+$0xF0]  }
0x1ad: {  	s0 =	sadd.s32 $0x1, s31;
	v12 =	vmov s31;
	[tilespmem:s30+$0x90] =	vst v5;
	v5 =	vmul.f32 v9, v4;
	v9 =	vld [tilespmem:s30+$0x100]  }
0x1ae: {  	s1 =	sadd.s32 $0x3, s31;
	v13 =	vmov s0;
	s0 =	sadd.s32 $0x2, s31;
	v12 =	vand.u32 $0x78, v12;
	[tilespmem:s30+$0xA0] =	vst v7;
	v6 =	vmul.f32 v6, v4;
	v7 =	vld [tilespmem:s30+$0x110]  }
0x1af: {  	v15 =	vmov s1;
	s1 =	sadd.s32 $0x5, s31;
	v14 =	vmov s0;
	s0 =	sadd.s32 $0x4, s31;
	[tilespmem:s30+$0xB0] =	vst v5;
	v5 =	vmul.f32 v10, v4;
	v10 =	vld [tilespmem:s30+$0x120]  }
0x1b0: {  	v17 =	vmov s1;
	v16 =	vmov s0;
	s0 =	sadd.s32 $0x6, s31;
	[tilespmem:s30+$0xC0] =	vst v6;
	v6 =	vmul.f32 v8, v4;
	v8 =	vld [tilespmem:s30+$0x130]  }
0x1b1: {  	v18 =	vmov s0;
	v12 =	vor.u32 v1, v12;
	[tilespmem:s30+$0xD0] =	vst v5;
	v4 =	vmul.f32 v11, v4;
	v5 =	vld [tilespmem:s30+$0x140]  }
0x1b2: {  	v11 =	vand.u32 $0x79, v13;
	v13 =	vand.u32 $0x7A, v14;
	[tilespmem:s30+$0xE0] =	vst v6;
	v6 =	vmul.f32 v9, v3;
	v9 =	vld [tilespmem:s30+$0x150]  }
0x1b3: {  	v14 =	vand.u32 $0x7B, v15;
	v15 =	vand.u32 $0x7C, v16;
	[tilespmem:s30+$0xF0] =	vst v4;
	v7 =	vmul.f32 v7, v3;
	v19 =	vld [tilespmem:s30+$0x160]  }
0x1b4: {  	v16 =	vand.u32 $0x7D, v17;
	v17 =	vand.u32 $0x7E, v18;
	[tilespmem:s30+$0x100] =	vst v6;
	v10 =	vmul.f32 v10, v3;
	v18 =	vld [tilespmem:s30+$0x170]  }
.Ltmp2:
0x1b5: {  	v11 =	vor.u32 v1, v11;
	v4 =	vbroadcast v12, $0x0;
	[tilespmem:s30+$0x110] =	vst v7;
	v8 =	vmul.f32 v8, v3;
	v6 =	vld [tilespmem:s30+$0x180];
	(pc) =	sbr.rel @p0 .LBB2_8-.Ltmp2, $4  }
0x1b6: {  	v20 =	vor.u32 v1, v14;
	v12 =	vor.u32 v1, v13;
	[tilespmem:s30+$0x120] =	vst v10;
	v13 =	vmul.f32 v5, v3;
	v7 =	vld [tilespmem:s30+$0x190]  }
0x1b7: {  	v14 =	vor.u32 v1, v15;
	v5 =	vbroadcast v11, $0x0;
	[tilespmem:s30+$0x130] =	vst v8;
	v11 =	vmul.f32 v9, v3;
	v8 =	vld [tilespmem:s30+$0x1A0]  }
0x1b8: {  	v16 =	vor.u32 v1, v16;
	v10 =	vbroadcast v12, $0x0;
	[tilespmem:s30+$0x140] =	vst v13;
	v13 =	vmul.f32 v19, v3;
	v9 =	vld [tilespmem:s30+$0x1B0]  }
0x1b9: {  	s0 =	sadd.s32 $0x7, s31;
	s31 =	sadd.s32 $0x8, s31;
	v15 =	vor.u32 v1, v17;
	v12 =	vbroadcast v20, $0x0;
	[tilespmem:s30+$0x150] =	vst v11;
	v17 =	vmul.f32 v18, v3;
	v11 =	vld [tilespmem:s30+$0x1C0]  }
0x1ba: {  	_ =	sdelay $0x1  }
0x1bb: {  	v18 =	vld [tilespmem:s30+$0x1D0]  }
0x1bc: {  	v19 =	vld [tilespmem:s30+$0x1E0]  }
0x1bd: {  	v63 =	vld.idx.msk [tilespmem:v4+s19+$0x0], $0xffff  }
0x1be: {  	v20 =	vld.idx.msk [tilespmem:v5+s19+$0x0], $0xffff  }
0x1bf: {  	v10 =	vld.idx.msk [tilespmem:v10+s19+$0x0], $0xffff  }
0x1c0: {  	s31 =	sadd.s32 $0x400, s30;
	v12 =	vld.idx.msk [tilespmem:v12+s19+$0x0], $0xffff  }
0x1c1: {  	v24 =	vld [tilespmem:s31+$0x1F0]  }
0x1c2: {  	v26 =	vld [tilespmem:s31+$0xFFFFFE00]  }
0x1c3: {  	[tilespmem:s30+$0x160] =	vst v13;
	v6 =	vmul.f32 v6, v2;
	v28 =	vld [tilespmem:s31+$0xFFFFFE10]  }
0x1c4: {  	[tilespmem:s30+$0x170] =	vst v17;
	v7 =	vmul.f32 v7, v2;
	v30 =	vld [tilespmem:s31+$0xFFFFFE20]  }
0x1c5: {  	v31 =	vld [tilespmem:s31+$0xFFFFFE30];
	[tilespmem:s30+$0x180] =	vst v6;
	v23 =	vmul.f32 v8, v2  }
0x1c6: {  	v32 =	vld [tilespmem:s31+$0xFFFFFE40];
	[tilespmem:s30+$0x190] =	vst v7;
	v25 =	vmul.f32 v9, v2  }
0x1c7: {  	v33 =	vld [tilespmem:s31+$0xFFFFFE50];
	[tilespmem:s30+$0x1A0] =	vst v23;
	v27 =	vmul.f32 v11, v2  }
0x1c8: {  	v34 =	vld [tilespmem:s31+$0xFFFFFE60];
	[tilespmem:s30+$0x1B0] =	vst v25;
	v29 =	vmul.f32 v18, v2  }
0x1c9: {  	v35 =	vld [tilespmem:s31+$0xFFFFFE70];
	v2 =	vmul.f32 v19, v2;
	[tilespmem:s30+$0x1C0] =	vst v27  }
0x1ca: {  	v36 =	vld [tilespmem:s31+$0xFFFFFE80];
	v11 =	vmul.f32 v28, v63;
	[tilespmem:s30+$0x1D0] =	vst v29  }
0x1cb: {  	v37 =	vld [tilespmem:s31+$0xFFFFFE90];
	[tilespmem:s30+$0x1E0] =	vst v2;
	v2 =	vmul.f32 v26, v63  }
0x1cc: {  	v39 =	vld [tilespmem:s31+$0xFFFFFEA0];
	v6 =	vmul.f32 v31, v63;
	[tilespmem:s31+$0xFFFFFE10] =	vst v11  }
0x1cd: {  	v40 =	vld [tilespmem:s31+$0xFFFFFEB0];
	[tilespmem:s31+$0xFFFFFE00] =	vst v2;
	v2 =	vmul.f32 v30, v63  }
0x1ce: {  	v42 =	vld [tilespmem:s31+$0xFFFFFEC0];
	v38 =	vmul.f32 v33, v63;
	[tilespmem:s31+$0xFFFFFE30] =	vst v6  }
0x1cf: {  	v43 =	vld [tilespmem:s31+$0xFFFFFED0];
	[tilespmem:s31+$0xFFFFFE20] =	vst v2;
	v2 =	vmul.f32 v32, v63  }
0x1d0: {  	v45 =	vld [tilespmem:s31+$0xFFFFFEE0];
	v41 =	vmul.f32 v35, v63;
	[tilespmem:s31+$0xFFFFFE50] =	vst v38  }
0x1d1: {  	v46 =	vld [tilespmem:s31+$0xFFFFFEF0];
	[tilespmem:s31+$0xFFFFFE40] =	vst v2;
	v2 =	vmul.f32 v34, v63  }
0x1d2: {  	v48 =	vld [tilespmem:s31+$0xFFFFFF00];
	v44 =	vmul.f32 v37, v20;
	[tilespmem:s31+$0xFFFFFE70] =	vst v41  }
0x1d3: {  	v49 =	vld [tilespmem:s31+$0xFFFFFF10];
	[tilespmem:s31+$0xFFFFFE60] =	vst v2;
	v2 =	vmul.f32 v36, v20  }
0x1d4: {  	v51 =	vld [tilespmem:s31+$0xFFFFFF20];
	v47 =	vmul.f32 v40, v20;
	[tilespmem:s31+$0xFFFFFE90] =	vst v44  }
0x1d5: {  	v52 =	vld [tilespmem:s31+$0xFFFFFF30];
	[tilespmem:s31+$0xFFFFFE80] =	vst v2;
	v2 =	vmul.f32 v39, v20  }
0x1d6: {  	v54 =	vld [tilespmem:s31+$0xFFFFFF40];
	v50 =	vmul.f32 v43, v20;
	[tilespmem:s31+$0xFFFFFEB0] =	vst v47  }
0x1d7: {  	v55 =	vld [tilespmem:s31+$0xFFFFFF50];
	[tilespmem:s31+$0xFFFFFEA0] =	vst v2;
	v2 =	vmul.f32 v42, v20  }
0x1d8: {  	v3 =	vbroadcast v14, $0x0;
	v57 =	vld [tilespmem:s31+$0xFFFFFF60];
	v53 =	vmul.f32 v46, v20;
	[tilespmem:s31+$0xFFFFFED0] =	vst v50  }
0x1d9: {  	v15 =	vbroadcast v15, $0x0;
	v58 =	vld [tilespmem:s31+$0xFFFFFF70];
	[tilespmem:s31+$0xFFFFFEC0] =	vst v2;
	v2 =	vmul.f32 v45, v20  }
0x1da: {  	v62 =	vmov s0;
	v60 =	vld [tilespmem:s31+$0xFFFFFF80];
	v56 =	vmul.f32 v49, v10;
	[tilespmem:s31+$0xFFFFFEF0] =	vst v53  }
0x1db: {  	v16 =	vbroadcast v16, $0x0;
	v14 =	vand.u32 $0x7F, v62;
	v61 =	vld [tilespmem:s31+$0xFFFFFF90];
	[tilespmem:s31+$0xFFFFFEE0] =	vst v2;
	v2 =	vmul.f32 v48, v10  }
0x1dc: {  	v1 =	vor.u32 v1, v14;
	v14 =	vld [tilespmem:s31+$0xFFFFFFB0];
	v59 =	vmul.f32 v52, v10;
	[tilespmem:s31+$0xFFFFFF10] =	vst v56  }
0x1dd: {  	v23 =	vld [tilespmem:s31+$0x10];
	[tilespmem:s31+$0xFFFFFF00] =	vst v2;
	v2 =	vmul.f32 v51, v10  }
0x1de: {  	v5 =	vld.idx.msk [tilespmem:v3+s19+$0x0], $0xffff;
	v62 =	vmul.f32 v55, v10;
	[tilespmem:s31+$0xFFFFFF30] =	vst v59  }
0x1df: {  	v3 =	vld.idx.msk [tilespmem:v15+s19+$0x0], $0xffff;
	[tilespmem:s31+$0xFFFFFF20] =	vst v2;
	v2 =	vmul.f32 v54, v10  }
0x1e0: {  	v15 =	vmul.f32 v58, v10;
	[tilespmem:s31+$0xFFFFFF50] =	vst v62;
	v63 =	vld [tilespmem:s31+$0xFFFFFFA0]  }
0x1e1: {  	v4 =	vld.idx.msk [tilespmem:v16+s19+$0x0], $0xffff;
	[tilespmem:s31+$0xFFFFFF40] =	vst v2;
	v2 =	vmul.f32 v57, v10  }
0x1e2: {  	v16 =	vld [tilespmem:s31+$0xFFFFFFC0];
	v18 =	vmul.f32 v61, v12;
	[tilespmem:s31+$0xFFFFFF70] =	vst v15  }
0x1e3: {  	v35 =	vld [tilespmem:s31+$0x90];
	[tilespmem:s31+$0xFFFFFF60] =	vst v2;
	v2 =	vmul.f32 v60, v12  }
0x1e4: {  	v19 =	vld [tilespmem:s31+$0xFFFFFFE0];
	v21 =	vmul.f32 v14, v12;
	[tilespmem:s31+$0xFFFFFF90] =	vst v18  }
0x1e5: {  	v40 =	vld [tilespmem:s31+$0xD0];
	[tilespmem:s31+$0xFFFFFF80] =	vst v2;
	v2 =	vmul.f32 v63, v12  }
0x1e6: {  	v22 =	vld [tilespmem:s31+$0x0];
	[tilespmem:s31+$0xFFFFFFB0] =	vst v21;
	v30 =	vmul.f32 v23, v5  }
0x1e7: {  	v46 =	vld [tilespmem:s31+$0x110];
	[tilespmem:s31+$0xFFFFFFA0] =	vst v2;
	v2 =	vmul.f32 v16, v12  }
0x1e8: {  	v25 =	vld [tilespmem:s31+$0x20];
	v41 =	vmul.f32 v35, v4;
	[tilespmem:s31+$0x10] =	vst v30  }
0x1e9: {  	v1 =	vbroadcast v1, $0x0;
	v49 =	vld [tilespmem:s31+$0x130];
	[tilespmem:s31+$0xFFFFFFC0] =	vst v2;
	v2 =	vmul.f32 v19, v12  }
0x1ea: {  	v28 =	vld [tilespmem:s31+$0x40];
	v47 =	vmul.f32 v40, v4;
	[tilespmem:s31+$0x90] =	vst v41  }
0x1eb: {  	v26 =	vld [tilespmem:s31+$0x30];
	[tilespmem:s31+$0xFFFFFFE0] =	vst v2;
	v2 =	vmul.f32 v22, v5  }
0x1ec: {  	v31 =	vld [tilespmem:s31+$0x60];
	v52 =	vmul.f32 v46, v3;
	[tilespmem:s31+$0xD0] =	vst v47  }
0x1ed: {  	v38 =	vld [tilespmem:s31+$0xB0];
	[tilespmem:s31+$0x0] =	vst v2;
	v2 =	vmul.f32 v25, v5  }
0x1ee: {  	v55 =	vmul.f32 v49, v3;
	v34 =	vld [tilespmem:s31+$0x80];
	[tilespmem:s31+$0x110] =	vst v52  }
0x1ef: {  	v1 =	vld.idx.msk [tilespmem:v1+s19+$0x0], $0xffff;
	[tilespmem:s31+$0x20] =	vst v2;
	v2 =	vmul.f32 v28, v5  }
0x1f0: {  	v37 =	vld [tilespmem:s31+$0xA0];
	v33 =	vmul.f32 v26, v5;
	[tilespmem:s31+$0x130] =	vst v55  }
0x1f1: {  	v17 =	vld [tilespmem:s31+$0xFFFFFFD0];
	[tilespmem:s31+$0x40] =	vst v2;
	v2 =	vmul.f32 v31, v5  }
0x1f2: {  	v44 =	vmul.f32 v38, v4;
	[tilespmem:s31+$0x30] =	vst v33;
	v39 =	vld [tilespmem:s31+$0xC0]  }
0x1f3: {  	v29 =	vld [tilespmem:s31+$0x50];
	[tilespmem:s31+$0x60] =	vst v2;
	v2 =	vmul.f32 v34, v4  }
0x1f4: {  	v8 =	vmul.f32 v24, v1;
	[tilespmem:s31+$0xB0] =	vst v44;
	v42 =	vld [tilespmem:s31+$0xE0]  }
0x1f5: {  	v20 =	vld [tilespmem:s31+$0xFFFFFFF0];
	[tilespmem:s31+$0x80] =	vst v2;
	v2 =	vmul.f32 v37, v4  }
0x1f6: {  	v24 =	vmul.f32 v17, v12;
	[tilespmem:s31+$0x1F0] =	vst v8;
	v45 =	vld [tilespmem:s31+$0x100]  }
0x1f7: {  	v51 =	vld [tilespmem:s31+$0x150];
	[tilespmem:s31+$0xA0] =	vst v2;
	v2 =	vmul.f32 v39, v4  }
0x1f8: {  	v36 =	vmul.f32 v29, v5;
	[tilespmem:s31+$0xFFFFFFD0] =	vst v24;
	v48 =	vld [tilespmem:s31+$0x120]  }
0x1f9: {  	v32 =	vld [tilespmem:s31+$0x70];
	[tilespmem:s31+$0xC0] =	vst v2;
	v2 =	vmul.f32 v42, v4  }
0x1fa: {  	v50 =	vld [tilespmem:s31+$0x140];
	[tilespmem:s31+$0x50] =	vst v36;
	v27 =	vmul.f32 v20, v12  }
0x1fb: {  	v43 =	vld [tilespmem:s31+$0xF0];
	[tilespmem:s31+$0xE0] =	vst v2;
	v2 =	vmul.f32 v45, v3  }
0x1fc: {  	v53 =	vld [tilespmem:s31+$0x160];
	[tilespmem:s31+$0xFFFFFFF0] =	vst v27;
	v58 =	vmul.f32 v51, v3  }
0x1fd: {  	v54 =	vld [tilespmem:s31+$0x170];
	[tilespmem:s31+$0x100] =	vst v2;
	v2 =	vmul.f32 v48, v3  }
0x1fe: {  	v56 =	vld [tilespmem:s31+$0x180];
	[tilespmem:s31+$0x150] =	vst v58;
	v5 =	vmul.f32 v32, v5  }
0x1ff: {  	v57 =	vld [tilespmem:s31+$0x190];
	[tilespmem:s31+$0x120] =	vst v2;
	v2 =	vmul.f32 v50, v3  }
0x200: {  	v59 =	vld [tilespmem:s31+$0x1A0];
	[tilespmem:s31+$0x70] =	vst v5;
	v4 =	vmul.f32 v43, v4  }
0x201: {  	v60 =	vld [tilespmem:s31+$0x1B0];
	[tilespmem:s31+$0x140] =	vst v2;
	v2 =	vmul.f32 v53, v3  }
0x202: {  	v61 =	vld [tilespmem:s31+$0x1C0];
	[tilespmem:s31+$0xF0] =	vst v4;
	v3 =	vmul.f32 v54, v3  }
0x203: {  	v62 =	vld [tilespmem:s31+$0x1D0];
	[tilespmem:s31+$0x160] =	vst v2;
	v2 =	vmul.f32 v56, v1  }
0x204: {  	v63 =	vld [tilespmem:s31+$0x1E0];
	[tilespmem:s31+$0x170] =	vst v3;
	v3 =	vmul.f32 v57, v1  }
0x205: {  	[tilespmem:s31+$0x180] =	vst v2;
	v2 =	vmul.f32 v59, v1  }
0x206: {  	[tilespmem:s31+$0x190] =	vst v3;
	v3 =	vmul.f32 v60, v1  }
0x207: {  	[tilespmem:s31+$0x1A0] =	vst v2;
	v2 =	vmul.f32 v61, v1  }
0x208: {  	[tilespmem:s31+$0x1B0] =	vst v3;
	v3 =	vmul.f32 v62, v1  }
0x209: {  	v1 =	vmul.f32 v63, v1;
	[tilespmem:s31+$0x1C0] =	vst v2  }
0x20a: {  	s30 =	sand.u32 $0x3FFFFF80, s29;
	[tilespmem:s31+$0x1D0] =	vst v3  }
0x20b: {  	p0 =	sgt.u32 s28, $0x4C;
	s0 =	sadd.s32 $0x2800, s30;
	[tilespmem:s31+$0x1E0] =	vst v1  }
0x20c: {  	[spmem:s2] =	stream.indirect.scatter.add.f32 [tilespmem:s17], [sflag:$0x3], $0x80, s0, s15, $0xb8;
	[tilespmem:$0x1F800] =	vst v63  }
0x20d: {  	s26 =	sadd.s32 $0x1, s26;
	s0 =	sshll.u32 @!p0 s28, $0x7;
	_ =	swait.ge [sflag:s14], $0x4000  }
0x20e: {  	s1 =	simm.s32 @!p0 $0x80;
	s0 =	sand.u32 @!p0 $0x3FFFFF80, s0;
	[sflag:s14] =	ssyncset.done $0x0  }
0x20f: {  	s28 =	simm.s32 @!p0 $0x7800;
	s0 =	sadd.s32 @!p0 $0x180, s0;
	[sflag:s14] =	ssyncadd.s32 $0xFFFFC000  }
0x210: {  	[tilespmem:s28], [sflag:$0x2] =	stream.indirect.gather @!p0 [hbm4b:s4+s1], $0x80, s0, s1, $0xb8;
	[tilespmem:$0x1F800] =	vst v63  }
0x211: {  	p0 =	sne.s32 s26, $0x8  }
.Ltmp3:
0x212: {  	_ = 	snop;
	(pc) =	sbr.rel @p0 .LBB2_5-.Ltmp3, $1  }
0x213: {  	_ =	sdelay $0x3  }
0x214: {  	s24 =	sadd.s32 $0x1, s24  }
0x215: {  	p0 =	sne.s32 s24, $0x5  }
.Ltmp4:
0x216: {  	_ = 	snop;
	(pc) =	sbr.rel @p0 .LBB2_4-.Ltmp4, $1  }
0x217: {  	_ =	sdelay $0x3  }
0x218: {  	s22 =	sadd.s32 $0x1, s22  }
0x219: {  	p0 =	sne.s32 s22, s11  }
.Ltmp5:
0x21a: {  	[bflag:$0x0] =	sbarrier.arrive $0xFFFF;
	(pc) =	sbr.rel @p0 .LBB2_1-.Ltmp5, $4  }
0x21b: {  	[hbm:s12], [sflag:s8] =	dma.local [spmem:s13], $0x2800  }
0x21c: {  	_ =	swait.ge [sflag:s14], $0x2800  }
0x21d: {  	[sflag:s14] =	ssyncset.done $0x0  }
0x21e: {  	[sflag:s14] =	ssyncadd.s32 $0xFFFFD800  }
0x21f: {  	_ =	sfence.sel $0x180000  }
0x220: {  	[bflag:$0x0] =	sbarrier.arrive $0xFFFF  }
0x221: {  	_ =	strace $0x9000004A  }
0x222: {  	s0 =	stileid.u32;
	[bflag:$0x2] =	sbarrier.arrive $0xFFFF  }
0x223: {  	p0 =	sne.s32 s0, $0x0;
	s0 =	rddreg [dreg:$0x3]  }
0x224: {  	s0 =	sadd.s32 @!p0 $0x100000, s0  }
0x225: {  	[sflag:s0] =	ssyncadd.tile.s32 @!p0 $0x1;
	_ =	shalt  }
.Lfunc_end2:
_tile_overlayer_lowered:
.L_overlay_start_2:
0x226: {  	(tag) =	ssettag $0x2  }
0x227: {  	s0 =	rddreg [dreg:$0x0];
	s2 =	stileid.u32  }
0x228: {  	s1 =	rddreg [dreg:$0x1];
	p0 =	sne.s32 s2, $0x0  }
0x229: {  	s3 =	rddreg [dreg:$0x2];
	[bflag:$0x3] =	sbarrier.arrive $0xFFFF;
	s2 =	simm.s32 @!p0 $0x1C03  }
0x22a: {  	[timem:s3], [sflag:s2] =	dma.local @!p0 [hbm:s0], s1  }
0x22b: {  	s0 =	simm.s32 @!p0 $0x3  }
0x22c: {  	_ =	swait.ge @!p0 [sflag:s0], s1  }
0x22d: {  	s1 =	ssub.s32 @!p0 $0x0, s1;
	[sflag:s0] =	ssyncset.done @!p0 $0x0  }
0x22e: {  	[sflag:s0] =	ssyncadd.s32 @!p0 s1  }
0x22f: {  	[bflag:$0x3] =	sbarrier.arrive $0xFFFF  }
0x230: {  	_ =	shalt  }

</sc_bundles>
